<compile_context>
chip_gen: v7x
topology: tpu7x:2x2x1
jax: 0.10.2.dev20260603
libtpu: 0.0.44.dev20260713+nightly
codegen_flags: <defaults>
</compile_context>

<pallas_src>
import functools

import jax
import jax.numpy as jnp
from jax import lax
from jax.experimental import pallas as pl
from jax.experimental.pallas import tpu as pltpu
from jax.experimental.pallas import tpu_sc as plsc

HIDDEN = 1024
FFN = 768
E = 8
T = 2048
BLK = 256
NT = (2 * T) // BLK + E - 1
PAD_ROWS = NT * BLK

NC = 2
NS = 16
NW = NC * NS
TOK_PER_W = T // NW
CH = 32
CCH = 256
NCH = T // CCH


def _routing_body(x_ref, gwt_ref, pos1_ref, pos2_ref, w1_ref, w2_ref, eid_ref,
                  xb_ref):
    x = x_ref[...]
    xb_ref.bitcast(jnp.bfloat16)[...] = x.astype(jnp.bfloat16).reshape(2 * T, HIDDEN // 2)
    logits = jnp.dot(x, gwt_ref[...], preferred_element_type=jnp.float32)
    l1 = jnp.max(logits, axis=-1, keepdims=True)
    i1 = jnp.argmax(logits, axis=-1)[:, None]
    cols = jax.lax.broadcasted_iota(jnp.int32, logits.shape, 1)
    l_m = jnp.where(cols == i1, -jnp.inf, logits)
    l2 = jnp.max(l_m, axis=-1, keepdims=True)
    i2 = jnp.argmax(l_m, axis=-1)[:, None]
    w1 = 1.0 / (1.0 + jnp.exp(l2 - l1))
    w2 = 1.0 - w1

    oh1 = cols == i1
    oh2 = cols == i2
    a = (oh1 | oh2).astype(jnp.bfloat16)

    r_i = jax.lax.broadcasted_iota(jnp.int32, (CCH, CCH), 0)
    c_i = jax.lax.broadcasted_iota(jnp.int32, (CCH, CCH), 1)
    tri_c = (c_i < r_i).astype(jnp.bfloat16)
    a3 = a.reshape(NCH, CCH, E)
    within = [
        jnp.dot(tri_c, a3[c], preferred_element_type=jnp.float32)
        for c in range(NCH)
    ]
    s = jnp.stack(
        [jnp.sum(a3[c].astype(jnp.float32), axis=0) for c in range(NCH)], axis=0
    )
    ch_r = jax.lax.broadcasted_iota(jnp.int32, (NCH, NCH), 0)
    ch_c = jax.lax.broadcasted_iota(jnp.int32, (NCH, NCH), 1)
    tri_ch = (ch_c < ch_r).astype(jnp.float32)
    excl_ch = jnp.dot(tri_ch, s, preferred_element_type=jnp.float32)
    p_excl = jnp.concatenate(
        [within[c] + excl_ch[c:c + 1, :] for c in range(NCH)], axis=0
    )

    cnt = jnp.sum(s, axis=0, keepdims=True)
    rup = jnp.ceil(cnt / BLK) * BLK
    e_r = jax.lax.broadcasted_iota(jnp.int32, (E, E), 0)
    e_c = jax.lax.broadcasted_iota(jnp.int32, (E, E), 1)
    tri8 = (e_r < e_c).astype(jnp.float32)
    astart = jnp.dot(rup, tri8, preferred_element_type=jnp.float32)

    posf = astart + p_excl
    pos1 = jnp.sum(jnp.where(oh1, posf, 0.0), axis=-1).astype(jnp.int32)
    pos2 = jnp.sum(jnp.where(oh2, posf, 0.0), axis=-1).astype(jnp.int32)
    pos1_ref[...] = pos1
    pos2_ref[...] = pos2
    w1_ref[...] = jnp.broadcast_to(w1, (T, 16))
    w2_ref[...] = jnp.broadcast_to(w2, (T, 16))

    cum_incl = astart + rup
    tile_start = jax.lax.broadcasted_iota(jnp.int32, (32, E), 0).astype(jnp.float32) * BLK
    eid = jnp.sum((cum_incl <= tile_start).astype(jnp.int32), axis=-1)
    n_active = (jnp.sum(rup) / BLK).astype(jnp.int32)
    e_iota = jax.lax.broadcasted_iota(jnp.int32, (1, E), 1)
    last_e = jnp.max(jnp.where(rup > 0, e_iota, 0))
    idx32 = jax.lax.broadcasted_iota(jnp.int32, (32,), 0)
    eid_ref[...] = jnp.where(idx32 == NT, n_active, jnp.minimum(eid, last_e))


def _routing(x, gate_wt):
    return pl.pallas_call(
        _routing_body,
        out_shape=(
            jax.ShapeDtypeStruct((T,), jnp.int32),
            jax.ShapeDtypeStruct((T,), jnp.int32),
            jax.ShapeDtypeStruct((T, 16), jnp.float32),
            jax.ShapeDtypeStruct((T, 16), jnp.float32),
            jax.ShapeDtypeStruct((32,), jnp.int32),
            jax.ShapeDtypeStruct((T, HIDDEN // 2), jnp.int32),
        ),
    )(x, gate_wt)


def _dispatch_body(xb_hbm, p1_hbm, p2_hbm, xs_hbm, xv, i1v, i2v, s1, s2, s3):
    wid = lax.axis_index("s") * NC + lax.axis_index("c")
    base = wid * TOK_PER_W
    l1 = pltpu.async_copy(xb_hbm.at[pl.ds(base, TOK_PER_W)], xv, s1)
    l2 = pltpu.async_copy(p1_hbm.at[pl.ds(base, TOK_PER_W)], i1v, s2)
    l3 = pltpu.async_copy(p2_hbm.at[pl.ds(base, TOK_PER_W)], i2v, s3)
    l1.wait()
    l2.wait()
    l3.wait()
    c1 = pltpu.async_copy(xv, xs_hbm.at[i1v], s1)
    c2 = pltpu.async_copy(xv, xs_hbm.at[i2v], s2)
    c1.wait()
    c2.wait()


def _dispatch(xb, pos1, pos2):
    mesh = plsc.VectorSubcoreMesh(core_axis_name="c", subcore_axis_name="s")
    f = pl.kernel(
        _dispatch_body,
        out_type=jax.ShapeDtypeStruct((PAD_ROWS, HIDDEN // 2), jnp.int32),
        mesh=mesh,
        scratch_types=[
            pltpu.VMEM((TOK_PER_W, HIDDEN // 2), jnp.int32),
            pltpu.VMEM((TOK_PER_W,), jnp.int32),
            pltpu.VMEM((TOK_PER_W,), jnp.int32),
            pltpu.SemaphoreType.DMA,
            pltpu.SemaphoreType.DMA,
            pltpu.SemaphoreType.DMA,
        ],
    )
    return f(xb, pos1, pos2)


def _gmm_body(eids_ref, xs_ref, g_ref, u_ref, d_ref, out_ref, gb_ref, ub_ref, db_ref):
    i = pl.program_id(0)
    n_active = eids_ref[NT]
    changed = jnp.logical_or(i == 0, eids_ref[i] != eids_ref[jnp.maximum(i - 1, 0)])

    @pl.when(jnp.logical_and(i < n_active, changed))
    def _():
        gb_ref[...] = g_ref[0].astype(jnp.bfloat16)
        ub_ref[...] = u_ref[0].astype(jnp.bfloat16)
        db_ref[...] = d_ref[0].astype(jnp.bfloat16)

    @pl.when(i < n_active)
    def _():
        x = xs_ref.bitcast(jnp.bfloat16)[...].reshape(BLK, HIDDEN)
        g = jnp.dot(x, gb_ref[...], preferred_element_type=jnp.float32)
        u = jnp.dot(x, ub_ref[...], preferred_element_type=jnp.float32)
        act = ((g * jax.nn.sigmoid(g)) * u).astype(jnp.bfloat16)
        y = jnp.dot(act, db_ref[...], preferred_element_type=jnp.float32)
        out_ref.bitcast(jnp.bfloat16)[...] = y.astype(jnp.bfloat16).reshape(2 * BLK, HIDDEN // 2)


def _gmm(eids, xs, gate_proj, up_proj, down_proj):
    grid_spec = pltpu.PrefetchScalarGridSpec(
        num_scalar_prefetch=1,
        grid=(NT,),
        in_specs=[
            pl.BlockSpec((BLK, HIDDEN // 2),
                         lambda i, eids: (jnp.minimum(i, eids[NT] - 1), 0)),
            pl.BlockSpec((1, HIDDEN, FFN), lambda i, eids: (eids[i], 0, 0)),
            pl.BlockSpec((1, HIDDEN, FFN), lambda i, eids: (eids[i], 0, 0)),
            pl.BlockSpec((1, FFN, HIDDEN), lambda i, eids: (eids[i], 0, 0)),
        ],
        out_specs=pl.BlockSpec((BLK, HIDDEN // 2),
                               lambda i, eids: (jnp.minimum(i, eids[NT] - 1), 0)),
        scratch_shapes=[
            pltpu.VMEM((HIDDEN, FFN), jnp.bfloat16),
            pltpu.VMEM((HIDDEN, FFN), jnp.bfloat16),
            pltpu.VMEM((FFN, HIDDEN), jnp.bfloat16),
        ],
    )
    return pl.pallas_call(
        _gmm_body,
        grid_spec=grid_spec,
        out_shape=jax.ShapeDtypeStruct((PAD_ROWS, HIDDEN // 2), jnp.int32),
        compiler_params=pltpu.CompilerParams(
            dimension_semantics=("arbitrary",),
        ),
    )(eids, xs, gate_proj, up_proj, down_proj)


def _combine_body(ys_hbm, p1_hbm, p2_hbm, y1_hbm, y2_hbm, i1v, i2v,
                  b10, b11, b20, b21, s10, s11, s20, s21):
    wid = lax.axis_index("s") * NC + lax.axis_index("c")
    base = wid * TOK_PER_W
    l1 = pltpu.async_copy(p1_hbm.at[pl.ds(base, TOK_PER_W)], i1v, s10)
    l2 = pltpu.async_copy(p2_hbm.at[pl.ds(base, TOK_PER_W)], i2v, s20)
    l1.wait()
    l2.wait()
    bufs1, bufs2 = (b10, b11), (b20, b21)
    sems1, sems2 = (s10, s11), (s20, s21)
    cps = []
    for c in range(TOK_PER_W // CH):
        cps.append((
            pltpu.async_copy(ys_hbm.at[i1v.at[pl.ds(c * CH, CH)]], bufs1[c], sems1[c]),
            pltpu.async_copy(ys_hbm.at[i2v.at[pl.ds(c * CH, CH)]], bufs2[c], sems2[c]),
        ))
    for c in range(TOK_PER_W // CH):
        g1, g2 = cps[c]
        g1.wait()
        pltpu.sync_copy(bufs1[c], y1_hbm.at[pl.ds(base + c * CH, CH)])
        g2.wait()
        pltpu.sync_copy(bufs2[c], y2_hbm.at[pl.ds(base + c * CH, CH)])


def _combine(ys, pos1, pos2):
    mesh = plsc.VectorSubcoreMesh(core_axis_name="c", subcore_axis_name="s")
    f = pl.kernel(
        _combine_body,
        out_type=(
            jax.ShapeDtypeStruct((T, HIDDEN // 2), jnp.int32),
            jax.ShapeDtypeStruct((T, HIDDEN // 2), jnp.int32),
        ),
        mesh=mesh,
        scratch_types=[
            pltpu.VMEM((TOK_PER_W,), jnp.int32),
            pltpu.VMEM((TOK_PER_W,), jnp.int32),
            pltpu.VMEM((CH, HIDDEN // 2), jnp.int32),
            pltpu.VMEM((CH, HIDDEN // 2), jnp.int32),
            pltpu.VMEM((CH, HIDDEN // 2), jnp.int32),
            pltpu.VMEM((CH, HIDDEN // 2), jnp.int32),
            pltpu.SemaphoreType.DMA,
            pltpu.SemaphoreType.DMA,
            pltpu.SemaphoreType.DMA,
            pltpu.SemaphoreType.DMA,
        ],
    )
    return f(ys, pos1, pos2)


def _add_body(a_ref, b_ref, wa_ref, wb_ref, o_ref):
    a = a_ref.bitcast(jnp.bfloat16)[...].reshape(BLK, HIDDEN).astype(jnp.float32)
    b = b_ref.bitcast(jnp.bfloat16)[...].reshape(BLK, HIDDEN).astype(jnp.float32)
    o_ref[...] = a * wa_ref[:, 0:1] + b * wb_ref[:, 0:1]


def _final_add(y1, y2, w1rep, w2rep):
    return pl.pallas_call(
        _add_body,
        grid=(T // BLK,),
        in_specs=[
            pl.BlockSpec((BLK, HIDDEN // 2), lambda i: (i, 0)),
            pl.BlockSpec((BLK, HIDDEN // 2), lambda i: (i, 0)),
            pl.BlockSpec((BLK, 16), lambda i: (i, 0)),
            pl.BlockSpec((BLK, 16), lambda i: (i, 0)),
        ],
        out_specs=pl.BlockSpec((BLK, HIDDEN), lambda i: (i, 0)),
        out_shape=jax.ShapeDtypeStruct((T, HIDDEN), jnp.float32),
    )(y1, y2, w1rep, w2rep)


def kernel(hidden_states, gate_w, gate_proj, up_proj, down_proj):
    b, s, h = hidden_states.shape
    x = hidden_states.reshape(-1, h)
    pos1, pos2, w1rep, w2rep, eid32, xb = _routing(x, gate_w.T)
    xs = _dispatch(xb, pos1, pos2)
    ys = _gmm(eid32, xs, gate_proj, up_proj, down_proj)
    y1, y2 = _combine(ys, pos1, pos2)
    out = _final_add(y1, y2, w1rep, w2rep)
    return out.reshape(b, s, h)

# --- scband reference (transcript-rebuilt; emitter-appended) ---
"""Pipeline reference for scband-qwen3-moe-sparse-moe-block-17970143166636 (READ-ONLY COPY).

The authoritative reference and input builder live on the scoring server;
editing this copy changes nothing except your own understanding.
"""

import jax, jax.numpy as jnp
import numpy as np

HIDDEN = 1024
FFN = 768
E = 8
TOP_K = 2
B, S = 1, 2048

def setup_inputs(seed: int = 0) -> dict:
    key = jax.random.key(seed)
    k1, k2, k3, k4, k5 = jax.random.split(key, 5)
    hidden_states = jax.random.normal(k1, (B, S, HIDDEN), dtype=jnp.float32)
    # router gate: nn.Linear(hidden, E, bias=False) -> weight [E, hidden]
    gate_w = jax.random.normal(k2, (E, HIDDEN), dtype=jnp.float32) * (1.0 / np.sqrt(HIDDEN))
    # per-expert MLP weights, stored pre-transposed for einsum: [E, hidden, ffn] and [E, ffn, hidden]
    gate_proj = jax.random.normal(k3, (E, HIDDEN, FFN), dtype=jnp.float32) * (1.0 / np.sqrt(HIDDEN))
    up_proj = jax.random.normal(k4, (E, HIDDEN, FFN), dtype=jnp.float32) * (1.0 / np.sqrt(HIDDEN))
    down_proj = jax.random.normal(k5, (E, FFN, HIDDEN), dtype=jnp.float32) * (1.0 / np.sqrt(FFN))
    return {"hidden_states": hidden_states, "gate_w": gate_w, "gate_proj": gate_proj, "up_proj": up_proj, "down_proj": down_proj}

def reference(hidden_states, gate_w, gate_proj, up_proj, down_proj):
    b, s, h = hidden_states.shape
    x = hidden_states.reshape(-1, h)  # [T, h]
    T = x.shape[0]
    # router
    router_logits = x @ gate_w.T  # [T, E]
    routing_weights = jax.nn.softmax(router_logits, axis=-1)
    top_w, top_i = jax.lax.top_k(routing_weights, TOP_K)  # [T, k]
    # norm_topk_prob = True
    top_w = top_w / jnp.sum(top_w, axis=-1, keepdims=True)
    # dense per-token expert weight matrix [T, E] (zero for unselected experts);
    # top-k indices are distinct per token so scatter-add is exact
    w_full = jnp.zeros((T, E), dtype=x.dtype).at[jnp.arange(T)[:, None], top_i].add(top_w)
    # expert MLPs (SiLU-gated): computed densely for all experts, masked by routing weights
    g_all = jnp.einsum('td,edf->etf', x, gate_proj)
    u_all = jnp.einsum('td,edf->etf', x, up_proj)
    act = jax.nn.silu(g_all) * u_all
    y_all = jnp.einsum('etf,efd->etd', act, down_proj)
    out = jnp.einsum('etd,te->td', y_all, w_full)
    return out.reshape(b, s, h)

if __name__ == "__main__":
    import jax
    _d = setup_inputs()
    print(jax.jit(kernel)(*tuple(_d.values())))

</pallas_src>

<mosaic_0001>
#map = affine_map<(d0, d1) -> (0, 0)>
#map1 = affine_map<(d0, d1) -> (0)>
module attributes {stable_mosaic.version = 14 : i64} {
  func.func @_combine_body(%arg0: i32, %arg1: i32, %arg2: memref<5888x512xi32, #tpu.memory_space<hbm>>, %arg3: memref<2048xi32, #tpu.memory_space<hbm>>, %arg4: memref<2048xi32, #tpu.memory_space<hbm>>, %arg5: memref<2048x512xi32, #tpu.memory_space<hbm>>, %arg6: memref<2048x512xi32, #tpu.memory_space<hbm>>, %arg7: memref<64xi32, #tpu.memory_space<vmem>>, %arg8: memref<64xi32, #tpu.memory_space<vmem>>, %arg9: memref<32x512xi32, #tpu.memory_space<vmem>>, %arg10: memref<32x512xi32, #tpu.memory_space<vmem>>, %arg11: memref<32x512xi32, #tpu.memory_space<vmem>>, %arg12: memref<32x512xi32, #tpu.memory_space<vmem>>, %arg13: memref<!tpu.dma_semaphore, #tpu.memory_space<semaphore_mem>>, %arg14: memref<!tpu.dma_semaphore, #tpu.memory_space<semaphore_mem>>, %arg15: memref<!tpu.dma_semaphore, #tpu.memory_space<semaphore_mem>>, %arg16: memref<!tpu.dma_semaphore, #tpu.memory_space<semaphore_mem>>) attributes {dimension_semantics = [#tpu.dimension_semantics<core_parallel>, #tpu.dimension_semantics<subcore_parallel>], iteration_bounds = array<i64: 2, 16>, scalar_prefetch = 0 : i64, scratch_operands = 10 : i64, tpu.core_type = #tpu.core_type<sc_vector_subcore>, window_params = [{transform_indices = #map}, {transform_indices = #map1}, {transform_indices = #map1}, {transform_indices = #map}, {transform_indices = #map}]} {
    %mul3A = arith.constant 2 : i32
    %mul3A_0 = arith.muli %arg1, %mul3A : i32
    %add3A = arith.addi %mul3A_0, %arg0 : i32
    %mul3A_1 = arith.constant 64 : i32
    %mul3A_2 = arith.muli %add3A, %mul3A_1 : i32
    %dma_start3A = tpu.memref_slice %arg3[%mul3A_2] : memref<2048xi32, #tpu.memory_space<hbm>> -> memref<64xi32, #tpu.memory_space<hbm>>
    %dma_start3A_3 = tpu.memref_slice %arg3[%mul3A_2] : memref<2048xi32, #tpu.memory_space<hbm>> -> memref<64xi32, #tpu.memory_space<hbm>>
    tpu.enqueue_dma source(%dma_start3A_3 : memref<64xi32, #tpu.memory_space<hbm>>) target(%arg7 : memref<64xi32, #tpu.memory_space<vmem>>) target_semaphore(%arg13 : memref<!tpu.dma_semaphore, #tpu.memory_space<semaphore_mem>>)
    %dma_start3A_4 = tpu.memref_slice %arg4[%mul3A_2] : memref<2048xi32, #tpu.memory_space<hbm>> -> memref<64xi32, #tpu.memory_space<hbm>>
    %dma_start3A_5 = tpu.memref_slice %arg4[%mul3A_2] : memref<2048xi32, #tpu.memory_space<hbm>> -> memref<64xi32, #tpu.memory_space<hbm>>
    tpu.enqueue_dma source(%dma_start3A_5 : memref<64xi32, #tpu.memory_space<hbm>>) target(%arg8 : memref<64xi32, #tpu.memory_space<vmem>>) target_semaphore(%arg15 : memref<!tpu.dma_semaphore, #tpu.memory_space<semaphore_mem>>)
    %dma_wait3A = tpu.memref_slice %arg3[%mul3A_2] : memref<2048xi32, #tpu.memory_space<hbm>> -> memref<64xi32, #tpu.memory_space<hbm>>
    %dma_wait3A_6 = tpu.memref_slice %arg3[%mul3A_2] : memref<2048xi32, #tpu.memory_space<hbm>> -> memref<64xi32, #tpu.memory_space<hbm>>
    tpu.wait_dma2 semaphore(%arg13 : memref<!tpu.dma_semaphore, #tpu.memory_space<semaphore_mem>>) src(%dma_wait3A_6 : memref<64xi32, #tpu.memory_space<hbm>>) dst(%arg7 : memref<64xi32, #tpu.memory_space<vmem>>)
    %dma_wait3A_7 = tpu.memref_slice %arg4[%mul3A_2] : memref<2048xi32, #tpu.memory_space<hbm>> -> memref<64xi32, #tpu.memory_space<hbm>>
    %dma_wait3A_8 = tpu.memref_slice %arg4[%mul3A_2] : memref<2048xi32, #tpu.memory_space<hbm>> -> memref<64xi32, #tpu.memory_space<hbm>>
    tpu.wait_dma2 semaphore(%arg15 : memref<!tpu.dma_semaphore, #tpu.memory_space<semaphore_mem>>) src(%dma_wait3A_8 : memref<64xi32, #tpu.memory_space<hbm>>) dst(%arg8 : memref<64xi32, #tpu.memory_space<vmem>>)
    %dma_start3A_9 = arith.constant 0 : i32
    %dma_start3A_10 = tpu.memref_slice %arg7[%dma_start3A_9] : memref<64xi32, #tpu.memory_space<vmem>> -> memref<32xi32, #tpu.memory_space<vmem>>
    %dma_start3A_11 = arith.constant 0 : i32
    %dma_start3A_12 = arith.constant 0 : i32
    %dma_start3A_13 = tpu.memref_slice %arg2[%dma_start3A_11, %dma_start3A_12] : memref<5888x512xi32, #tpu.memory_space<hbm>> -> memref<5888x512xi32, #tpu.memory_space<hbm>>
    tpu.enqueue_indirect_dma source(%dma_start3A_13 : memref<5888x512xi32, #tpu.memory_space<hbm>>) target(%arg9 : memref<32x512xi32, #tpu.memory_space<vmem>>) offsets(%dma_start3A_10 : memref<32xi32, #tpu.memory_space<vmem>>) semaphore(%arg13 : memref<!tpu.dma_semaphore, #tpu.memory_space<semaphore_mem>>)
    %dma_start3A_14 = arith.constant 0 : i32
    %dma_start3A_15 = tpu.memref_slice %arg8[%dma_start3A_14] : memref<64xi32, #tpu.memory_space<vmem>> -> memref<32xi32, #tpu.memory_space<vmem>>
    %dma_start3A_16 = arith.constant 0 : i32
    %dma_start3A_17 = arith.constant 0 : i32
    %dma_start3A_18 = tpu.memref_slice %arg2[%dma_start3A_16, %dma_start3A_17] : memref<5888x512xi32, #tpu.memory_space<hbm>> -> memref<5888x512xi32, #tpu.memory_space<hbm>>
    tpu.enqueue_indirect_dma source(%dma_start3A_18 : memref<5888x512xi32, #tpu.memory_space<hbm>>) target(%arg11 : memref<32x512xi32, #tpu.memory_space<vmem>>) offsets(%dma_start3A_15 : memref<32xi32, #tpu.memory_space<vmem>>) semaphore(%arg15 : memref<!tpu.dma_semaphore, #tpu.memory_space<semaphore_mem>>)
    %dma_start3A_19 = arith.constant 32 : i32
    %dma_start3A_20 = tpu.memref_slice %arg7[%dma_start3A_19] : memref<64xi32, #tpu.memory_space<vmem>> -> memref<32xi32, #tpu.memory_space<vmem>>
    %dma_start3A_21 = arith.constant 0 : i32
    %dma_start3A_22 = arith.constant 0 : i32
    %dma_start3A_23 = tpu.memref_slice %arg2[%dma_start3A_21, %dma_start3A_22] : memref<5888x512xi32, #tpu.memory_space<hbm>> -> memref<5888x512xi32, #tpu.memory_space<hbm>>
    tpu.enqueue_indirect_dma source(%dma_start3A_23 : memref<5888x512xi32, #tpu.memory_space<hbm>>) target(%arg10 : memref<32x512xi32, #tpu.memory_space<vmem>>) offsets(%dma_start3A_20 : memref<32xi32, #tpu.memory_space<vmem>>) semaphore(%arg14 : memref<!tpu.dma_semaphore, #tpu.memory_space<semaphore_mem>>)
    %dma_start3A_24 = arith.constant 32 : i32
    %dma_start3A_25 = tpu.memref_slice %arg8[%dma_start3A_24] : memref<64xi32, #tpu.memory_space<vmem>> -> memref<32xi32, #tpu.memory_space<vmem>>
    %dma_start3A_26 = arith.constant 0 : i32
    %dma_start3A_27 = arith.constant 0 : i32
    %dma_start3A_28 = tpu.memref_slice %arg2[%dma_start3A_26, %dma_start3A_27] : memref<5888x512xi32, #tpu.memory_space<hbm>> -> memref<5888x512xi32, #tpu.memory_space<hbm>>
    tpu.enqueue_indirect_dma source(%dma_start3A_28 : memref<5888x512xi32, #tpu.memory_space<hbm>>) target(%arg12 : memref<32x512xi32, #tpu.memory_space<vmem>>) offsets(%dma_start3A_25 : memref<32xi32, #tpu.memory_space<vmem>>) semaphore(%arg16 : memref<!tpu.dma_semaphore, #tpu.memory_space<semaphore_mem>>)
    %dma_wait3A_29 = arith.constant 0 : i32
    %dma_wait3A_30 = tpu.memref_slice %arg7[%dma_wait3A_29] : memref<64xi32, #tpu.memory_space<vmem>> -> memref<32xi32, #tpu.memory_space<vmem>>
    %dma_wait3A_31 = arith.constant 0 : i32
    %dma_wait3A_32 = arith.constant 0 : i32
    %dma_wait3A_33 = tpu.memref_slice %arg2[%dma_wait3A_31, %dma_wait3A_32] : memref<5888x512xi32, #tpu.memory_space<hbm>> -> memref<5888x512xi32, #tpu.memory_space<hbm>>
    tpu.wait_indirect_dma semaphore(%arg13 : memref<!tpu.dma_semaphore, #tpu.memory_space<semaphore_mem>>) src(%dma_wait3A_33 : memref<5888x512xi32, #tpu.memory_space<hbm>>) dst(%arg9 : memref<32x512xi32, #tpu.memory_space<vmem>>)
    %add3A_34 = arith.constant 0 : i32
    %add3A_35 = arith.addi %mul3A_2, %add3A_34 : i32
    "tpu.region"() ({
      %run_scoped3A = tpu.sem_alloc : memref<!tpu.dma_semaphore, #tpu.memory_space<semaphore_mem>>
      %dma_start3A_57 = arith.constant 0 : i32
      %dma_start3A_58 = tpu.memref_slice %arg5[%add3A_35, %dma_start3A_57] : memref<2048x512xi32, #tpu.memory_space<hbm>> -> memref<32x512xi32, #tpu.memory_space<hbm>>
      %dma_start3A_59 = arith.constant 0 : i32
      %dma_start3A_60 = tpu.memref_slice %arg5[%add3A_35, %dma_start3A_59] : memref<2048x512xi32, #tpu.memory_space<hbm>> -> memref<32x512xi32, #tpu.memory_space<hbm>>
      tpu.enqueue_dma source(%arg9 : memref<32x512xi32, #tpu.memory_space<vmem>>) target(%dma_start3A_60 : memref<32x512xi32, #tpu.memory_space<hbm>>) target_semaphore(%run_scoped3A : memref<!tpu.dma_semaphore, #tpu.memory_space<semaphore_mem>>)
      %dma_wait3A_61 = arith.constant 0 : i32
      %dma_wait3A_62 = tpu.memref_slice %arg5[%add3A_35, %dma_wait3A_61] : memref<2048x512xi32, #tpu.memory_space<hbm>> -> memref<32x512xi32, #tpu.memory_space<hbm>>
      %dma_wait3A_63 = arith.constant 0 : i32
      %dma_wait3A_64 = tpu.memref_slice %arg5[%add3A_35, %dma_wait3A_63] : memref<2048x512xi32, #tpu.memory_space<hbm>> -> memref<32x512xi32, #tpu.memory_space<hbm>>
      tpu.wait_dma2 semaphore(%run_scoped3A : memref<!tpu.dma_semaphore, #tpu.memory_space<semaphore_mem>>) src(%arg9 : memref<32x512xi32, #tpu.memory_space<vmem>>) dst(%dma_wait3A_64 : memref<32x512xi32, #tpu.memory_space<hbm>>)
      tpu.yield
    }) : () -> ()
    %dma_wait3A_36 = arith.constant 0 : i32
    %dma_wait3A_37 = tpu.memref_slice %arg8[%dma_wait3A_36] : memref<64xi32, #tpu.memory_space<vmem>> -> memref<32xi32, #tpu.memory_space<vmem>>
    %dma_wait3A_38 = arith.constant 0 : i32
    %dma_wait3A_39 = arith.constant 0 : i32
    %dma_wait3A_40 = tpu.memref_slice %arg2[%dma_wait3A_38, %dma_wait3A_39] : memref<5888x512xi32, #tpu.memory_space<hbm>> -> memref<5888x512xi32, #tpu.memory_space<hbm>>
    tpu.wait_indirect_dma semaphore(%arg15 : memref<!tpu.dma_semaphore, #tpu.memory_space<semaphore_mem>>) src(%dma_wait3A_40 : memref<5888x512xi32, #tpu.memory_space<hbm>>) dst(%arg11 : memref<32x512xi32, #tpu.memory_space<vmem>>)
    %add3A_41 = arith.constant 0 : i32
    %add3A_42 = arith.addi %mul3A_2, %add3A_41 : i32
    "tpu.region"() ({
      %run_scoped3A = tpu.sem_alloc : memref<!tpu.dma_semaphore, #tpu.memory_space<semaphore_mem>>
      %dma_start3A_57 = arith.constant 0 : i32
      %dma_start3A_58 = tpu.memref_slice %arg6[%add3A_42, %dma_start3A_57] : memref<2048x512xi32, #tpu.memory_space<hbm>> -> memref<32x512xi32, #tpu.memory_space<hbm>>
      %dma_start3A_59 = arith.constant 0 : i32
      %dma_start3A_60 = tpu.memref_slice %arg6[%add3A_42, %dma_start3A_59] : memref<2048x512xi32, #tpu.memory_space<hbm>> -> memref<32x512xi32, #tpu.memory_space<hbm>>
      tpu.enqueue_dma source(%arg11 : memref<32x512xi32, #tpu.memory_space<vmem>>) target(%dma_start3A_60 : memref<32x512xi32, #tpu.memory_space<hbm>>) target_semaphore(%run_scoped3A : memref<!tpu.dma_semaphore, #tpu.memory_space<semaphore_mem>>)
      %dma_wait3A_61 = arith.constant 0 : i32
      %dma_wait3A_62 = tpu.memref_slice %arg6[%add3A_42, %dma_wait3A_61] : memref<2048x512xi32, #tpu.memory_space<hbm>> -> memref<32x512xi32, #tpu.memory_space<hbm>>
      %dma_wait3A_63 = arith.constant 0 : i32
      %dma_wait3A_64 = tpu.memref_slice %arg6[%add3A_42, %dma_wait3A_63] : memref<2048x512xi32, #tpu.memory_space<hbm>> -> memref<32x512xi32, #tpu.memory_space<hbm>>
      tpu.wait_dma2 semaphore(%run_scoped3A : memref<!tpu.dma_semaphore, #tpu.memory_space<semaphore_mem>>) src(%arg11 : memref<32x512xi32, #tpu.memory_space<vmem>>) dst(%dma_wait3A_64 : memref<32x512xi32, #tpu.memory_space<hbm>>)
      tpu.yield
    }) : () -> ()
    %dma_wait3A_43 = arith.constant 32 : i32
    %dma_wait3A_44 = tpu.memref_slice %arg7[%dma_wait3A_43] : memref<64xi32, #tpu.memory_space<vmem>> -> memref<32xi32, #tpu.memory_space<vmem>>
    %dma_wait3A_45 = arith.constant 0 : i32
    %dma_wait3A_46 = arith.constant 0 : i32
    %dma_wait3A_47 = tpu.memref_slice %arg2[%dma_wait3A_45, %dma_wait3A_46] : memref<5888x512xi32, #tpu.memory_space<hbm>> -> memref<5888x512xi32, #tpu.memory_space<hbm>>
    tpu.wait_indirect_dma semaphore(%arg14 : memref<!tpu.dma_semaphore, #tpu.memory_space<semaphore_mem>>) src(%dma_wait3A_47 : memref<5888x512xi32, #tpu.memory_space<hbm>>) dst(%arg10 : memref<32x512xi32, #tpu.memory_space<vmem>>)
    %add3A_48 = arith.constant 32 : i32
    %add3A_49 = arith.addi %mul3A_2, %add3A_48 : i32
    "tpu.region"() ({
      %run_scoped3A = tpu.sem_alloc : memref<!tpu.dma_semaphore, #tpu.memory_space<semaphore_mem>>
      %dma_start3A_57 = arith.constant 0 : i32
      %dma_start3A_58 = tpu.memref_slice %arg5[%add3A_49, %dma_start3A_57] : memref<2048x512xi32, #tpu.memory_space<hbm>> -> memref<32x512xi32, #tpu.memory_space<hbm>>
      %dma_start3A_59 = arith.constant 0 : i32
      %dma_start3A_60 = tpu.memref_slice %arg5[%add3A_49, %dma_start3A_59] : memref<2048x512xi32, #tpu.memory_space<hbm>> -> memref<32x512xi32, #tpu.memory_space<hbm>>
      tpu.enqueue_dma source(%arg10 : memref<32x512xi32, #tpu.memory_space<vmem>>) target(%dma_start3A_60 : memref<32x512xi32, #tpu.memory_space<hbm>>) target_semaphore(%run_scoped3A : memref<!tpu.dma_semaphore, #tpu.memory_space<semaphore_mem>>)
      %dma_wait3A_61 = arith.constant 0 : i32
      %dma_wait3A_62 = tpu.memref_slice %arg5[%add3A_49, %dma_wait3A_61] : memref<2048x512xi32, #tpu.memory_space<hbm>> -> memref<32x512xi32, #tpu.memory_space<hbm>>
      %dma_wait3A_63 = arith.constant 0 : i32
      %dma_wait3A_64 = tpu.memref_slice %arg5[%add3A_49, %dma_wait3A_63] : memref<2048x512xi32, #tpu.memory_space<hbm>> -> memref<32x512xi32, #tpu.memory_space<hbm>>
      tpu.wait_dma2 semaphore(%run_scoped3A : memref<!tpu.dma_semaphore, #tpu.memory_space<semaphore_mem>>) src(%arg10 : memref<32x512xi32, #tpu.memory_space<vmem>>) dst(%dma_wait3A_64 : memref<32x512xi32, #tpu.memory_space<hbm>>)
      tpu.yield
    }) : () -> ()
    %dma_wait3A_50 = arith.constant 32 : i32
    %dma_wait3A_51 = tpu.memref_slice %arg8[%dma_wait3A_50] : memref<64xi32, #tpu.memory_space<vmem>> -> memref<32xi32, #tpu.memory_space<vmem>>
    %dma_wait3A_52 = arith.constant 0 : i32
    %dma_wait3A_53 = arith.constant 0 : i32
    %dma_wait3A_54 = tpu.memref_slice %arg2[%dma_wait3A_52, %dma_wait3A_53] : memref<5888x512xi32, #tpu.memory_space<hbm>> -> memref<5888x512xi32, #tpu.memory_space<hbm>>
    tpu.wait_indirect_dma semaphore(%arg16 : memref<!tpu.dma_semaphore, #tpu.memory_space<semaphore_mem>>) src(%dma_wait3A_54 : memref<5888x512xi32, #tpu.memory_space<hbm>>) dst(%arg12 : memref<32x512xi32, #tpu.memory_space<vmem>>)
    %add3A_55 = arith.constant 32 : i32
    %add3A_56 = arith.addi %mul3A_2, %add3A_55 : i32
    "tpu.region"() ({
      %run_scoped3A = tpu.sem_alloc : memref<!tpu.dma_semaphore, #tpu.memory_space<semaphore_mem>>
      %dma_start3A_57 = arith.constant 0 : i32
      %dma_start3A_58 = tpu.memref_slice %arg6[%add3A_56, %dma_start3A_57] : memref<2048x512xi32, #tpu.memory_space<hbm>> -> memref<32x512xi32, #tpu.memory_space<hbm>>
      %dma_start3A_59 = arith.constant 0 : i32
      %dma_start3A_60 = tpu.memref_slice %arg6[%add3A_56, %dma_start3A_59] : memref<2048x512xi32, #tpu.memory_space<hbm>> -> memref<32x512xi32, #tpu.memory_space<hbm>>
      tpu.enqueue_dma source(%arg12 : memref<32x512xi32, #tpu.memory_space<vmem>>) target(%dma_start3A_60 : memref<32x512xi32, #tpu.memory_space<hbm>>) target_semaphore(%run_scoped3A : memref<!tpu.dma_semaphore, #tpu.memory_space<semaphore_mem>>)
      %dma_wait3A_61 = arith.constant 0 : i32
      %dma_wait3A_62 = tpu.memref_slice %arg6[%add3A_56, %dma_wait3A_61] : memref<2048x512xi32, #tpu.memory_space<hbm>> -> memref<32x512xi32, #tpu.memory_space<hbm>>
      %dma_wait3A_63 = arith.constant 0 : i32
      %dma_wait3A_64 = tpu.memref_slice %arg6[%add3A_56, %dma_wait3A_63] : memref<2048x512xi32, #tpu.memory_space<hbm>> -> memref<32x512xi32, #tpu.memory_space<hbm>>
      tpu.wait_dma2 semaphore(%run_scoped3A : memref<!tpu.dma_semaphore, #tpu.memory_space<semaphore_mem>>) src(%arg12 : memref<32x512xi32, #tpu.memory_space<vmem>>) dst(%dma_wait3A_64 : memref<32x512xi32, #tpu.memory_space<hbm>>)
      tpu.yield
    }) : () -> ()
    return
  }
}

#map = affine_map<(d0, d1) -> (0, 0)>
#map1 = affine_map<(d0, d1) -> (0)>
module attributes {stable_mosaic.version = 14 : i64} {
  func.func @_dispatch_body(%arg0: i32, %arg1: i32, %arg2: memref<2048x512xi32, #tpu.memory_space<hbm>>, %arg3: memref<2048xi32, #tpu.memory_space<hbm>>, %arg4: memref<2048xi32, #tpu.memory_space<hbm>>, %arg5: memref<5888x512xi32, #tpu.memory_space<hbm>>, %arg6: memref<64x512xi32, #tpu.memory_space<vmem>>, %arg7: memref<64xi32, #tpu.memory_space<vmem>>, %arg8: memref<64xi32, #tpu.memory_space<vmem>>, %arg9: memref<!tpu.dma_semaphore, #tpu.memory_space<semaphore_mem>>, %arg10: memref<!tpu.dma_semaphore, #tpu.memory_space<semaphore_mem>>, %arg11: memref<!tpu.dma_semaphore, #tpu.memory_space<semaphore_mem>>) attributes {dimension_semantics = [#tpu.dimension_semantics<core_parallel>, #tpu.dimension_semantics<subcore_parallel>], iteration_bounds = array<i64: 2, 16>, scalar_prefetch = 0 : i64, scratch_operands = 6 : i64, tpu.core_type = #tpu.core_type<sc_vector_subcore>, window_params = [{transform_indices = #map}, {transform_indices = #map1}, {transform_indices = #map1}, {transform_indices = #map}]} {
    %mul3A = arith.constant 2 : i32
    %mul3A_0 = arith.muli %arg1, %mul3A : i32
    %add3A = arith.addi %mul3A_0, %arg0 : i32
    %mul3A_1 = arith.constant 64 : i32
    %mul3A_2 = arith.muli %add3A, %mul3A_1 : i32
    %dma_start3A = arith.constant 0 : i32
    %dma_start3A_3 = tpu.memref_slice %arg2[%mul3A_2, %dma_start3A] : memref<2048x512xi32, #tpu.memory_space<hbm>> -> memref<64x512xi32, #tpu.memory_space<hbm>>
    %dma_start3A_4 = arith.constant 0 : i32
    %dma_start3A_5 = tpu.memref_slice %arg2[%mul3A_2, %dma_start3A_4] : memref<2048x512xi32, #tpu.memory_space<hbm>> -> memref<64x512xi32, #tpu.memory_space<hbm>>
    tpu.enqueue_dma source(%dma_start3A_5 : memref<64x512xi32, #tpu.memory_space<hbm>>) target(%arg6 : memref<64x512xi32, #tpu.memory_space<vmem>>) target_semaphore(%arg9 : memref<!tpu.dma_semaphore, #tpu.memory_space<semaphore_mem>>)
    %dma_start3A_6 = tpu.memref_slice %arg3[%mul3A_2] : memref<2048xi32, #tpu.memory_space<hbm>> -> memref<64xi32, #tpu.memory_space<hbm>>
    %dma_start3A_7 = tpu.memref_slice %arg3[%mul3A_2] : memref<2048xi32, #tpu.memory_space<hbm>> -> memref<64xi32, #tpu.memory_space<hbm>>
    tpu.enqueue_dma source(%dma_start3A_7 : memref<64xi32, #tpu.memory_space<hbm>>) target(%arg7 : memref<64xi32, #tpu.memory_space<vmem>>) target_semaphore(%arg10 : memref<!tpu.dma_semaphore, #tpu.memory_space<semaphore_mem>>)
    %dma_start3A_8 = tpu.memref_slice %arg4[%mul3A_2] : memref<2048xi32, #tpu.memory_space<hbm>> -> memref<64xi32, #tpu.memory_space<hbm>>
    %dma_start3A_9 = tpu.memref_slice %arg4[%mul3A_2] : memref<2048xi32, #tpu.memory_space<hbm>> -> memref<64xi32, #tpu.memory_space<hbm>>
    tpu.enqueue_dma source(%dma_start3A_9 : memref<64xi32, #tpu.memory_space<hbm>>) target(%arg8 : memref<64xi32, #tpu.memory_space<vmem>>) target_semaphore(%arg11 : memref<!tpu.dma_semaphore, #tpu.memory_space<semaphore_mem>>)
    %dma_wait3A = arith.constant 0 : i32
    %dma_wait3A_10 = tpu.memref_slice %arg2[%mul3A_2, %dma_wait3A] : memref<2048x512xi32, #tpu.memory_space<hbm>> -> memref<64x512xi32, #tpu.memory_space<hbm>>
    %dma_wait3A_11 = arith.constant 0 : i32
    %dma_wait3A_12 = tpu.memref_slice %arg2[%mul3A_2, %dma_wait3A_11] : memref<2048x512xi32, #tpu.memory_space<hbm>> -> memref<64x512xi32, #tpu.memory_space<hbm>>
    tpu.wait_dma2 semaphore(%arg9 : memref<!tpu.dma_semaphore, #tpu.memory_space<semaphore_mem>>) src(%dma_wait3A_12 : memref<64x512xi32, #tpu.memory_space<hbm>>) dst(%arg6 : memref<64x512xi32, #tpu.memory_space<vmem>>)
    %dma_wait3A_13 = tpu.memref_slice %arg3[%mul3A_2] : memref<2048xi32, #tpu.memory_space<hbm>> -> memref<64xi32, #tpu.memory_space<hbm>>
    %dma_wait3A_14 = tpu.memref_slice %arg3[%mul3A_2] : memref<2048xi32, #tpu.memory_space<hbm>> -> memref<64xi32, #tpu.memory_space<hbm>>
    tpu.wait_dma2 semaphore(%arg10 : memref<!tpu.dma_semaphore, #tpu.memory_space<semaphore_mem>>) src(%dma_wait3A_14 : memref<64xi32, #tpu.memory_space<hbm>>) dst(%arg7 : memref<64xi32, #tpu.memory_space<vmem>>)
    %dma_wait3A_15 = tpu.memref_slice %arg4[%mul3A_2] : memref<2048xi32, #tpu.memory_space<hbm>> -> memref<64xi32, #tpu.memory_space<hbm>>
    %dma_wait3A_16 = tpu.memref_slice %arg4[%mul3A_2] : memref<2048xi32, #tpu.memory_space<hbm>> -> memref<64xi32, #tpu.memory_space<hbm>>
    tpu.wait_dma2 semaphore(%arg11 : memref<!tpu.dma_semaphore, #tpu.memory_space<semaphore_mem>>) src(%dma_wait3A_16 : memref<64xi32, #tpu.memory_space<hbm>>) dst(%arg8 : memref<64xi32, #tpu.memory_space<vmem>>)
    %dma_start3A_17 = arith.constant 0 : i32
    %dma_start3A_18 = arith.constant 0 : i32
    %dma_start3A_19 = tpu.memref_slice %arg5[%dma_start3A_17, %dma_start3A_18] : memref<5888x512xi32, #tpu.memory_space<hbm>> -> memref<5888x512xi32, #tpu.memory_space<hbm>>
    tpu.enqueue_indirect_dma source(%arg6 : memref<64x512xi32, #tpu.memory_space<vmem>>) target(%dma_start3A_19 : memref<5888x512xi32, #tpu.memory_space<hbm>>) offsets(%arg7 : memref<64xi32, #tpu.memory_space<vmem>>) semaphore(%arg9 : memref<!tpu.dma_semaphore, #tpu.memory_space<semaphore_mem>>)
    %dma_start3A_20 = arith.constant 0 : i32
    %dma_start3A_21 = arith.constant 0 : i32
    %dma_start3A_22 = tpu.memref_slice %arg5[%dma_start3A_20, %dma_start3A_21] : memref<5888x512xi32, #tpu.memory_space<hbm>> -> memref<5888x512xi32, #tpu.memory_space<hbm>>
    tpu.enqueue_indirect_dma source(%arg6 : memref<64x512xi32, #tpu.memory_space<vmem>>) target(%dma_start3A_22 : memref<5888x512xi32, #tpu.memory_space<hbm>>) offsets(%arg8 : memref<64xi32, #tpu.memory_space<vmem>>) semaphore(%arg10 : memref<!tpu.dma_semaphore, #tpu.memory_space<semaphore_mem>>)
    %dma_wait3A_23 = arith.constant 0 : i32
    %dma_wait3A_24 = arith.constant 0 : i32
    %dma_wait3A_25 = tpu.memref_slice %arg5[%dma_wait3A_23, %dma_wait3A_24] : memref<5888x512xi32, #tpu.memory_space<hbm>> -> memref<5888x512xi32, #tpu.memory_space<hbm>>
    tpu.wait_indirect_dma semaphore(%arg9 : memref<!tpu.dma_semaphore, #tpu.memory_space<semaphore_mem>>) src(%arg6 : memref<64x512xi32, #tpu.memory_space<vmem>>) dst(%dma_wait3A_25 : memref<5888x512xi32, #tpu.memory_space<hbm>>)
    %dma_wait3A_26 = arith.constant 0 : i32
    %dma_wait3A_27 = arith.constant 0 : i32
    %dma_wait3A_28 = tpu.memref_slice %arg5[%dma_wait3A_26, %dma_wait3A_27] : memref<5888x512xi32, #tpu.memory_space<hbm>> -> memref<5888x512xi32, #tpu.memory_space<hbm>>
    tpu.wait_indirect_dma semaphore(%arg10 : memref<!tpu.dma_semaphore, #tpu.memory_space<semaphore_mem>>) src(%arg6 : memref<64x512xi32, #tpu.memory_space<vmem>>) dst(%dma_wait3A_28 : memref<5888x512xi32, #tpu.memory_space<hbm>>)
    return
  }
}

module attributes {stable_mosaic.version = 14 : i64} {
  func.func @_gmm_body(%arg0: i32, %arg1: memref<32xi32, #tpu.memory_space<smem>>, %arg2: memref<256x512xi32, #tpu.memory_space<vmem>>, %arg3: memref<1x1024x768xf32, #tpu.memory_space<vmem>>, %arg4: memref<1x1024x768xf32, #tpu.memory_space<vmem>>, %arg5: memref<1x768x1024xf32, #tpu.memory_space<vmem>>, %arg6: memref<256x512xi32, #tpu.memory_space<vmem>>, %arg7: memref<1024x768xbf16, #tpu.memory_space<vmem>>, %arg8: memref<1024x768xbf16, #tpu.memory_space<vmem>>, %arg9: memref<768x1024xbf16, #tpu.memory_space<vmem>>) attributes {dimension_semantics = [#tpu.dimension_semantics<arbitrary>], iteration_bounds = array<i64: 23>, scalar_prefetch = 1 : i64, scratch_operands = 3 : i64, tpu.core_type = #tpu.core_type<tc>, window_params = [{transform_indices = @transform_0, window_bounds = array<i64: 256, 512>}, {transform_indices = @transform_1, window_bounds = array<i64: 1, 1024, 768>}, {transform_indices = @transform_2, window_bounds = array<i64: 1, 1024, 768>}, {transform_indices = @transform_3, window_bounds = array<i64: 1, 768, 1024>}, {transform_indices = @transform_4, window_bounds = array<i64: 256, 512>}]} {
    %get3A = arith.constant 23 : index
    %get3A_0 = memref.load %arg1[%get3A] : memref<32xi32, #tpu.memory_space<smem>>
    %eq3A = arith.constant 0 : i32
    %eq3A_1 = arith.cmpi eq, %arg0, %eq3A : i32
    %get3A_2 = arith.index_cast %arg0 : i32 to index
    %get3A_3 = memref.load %arg1[%get3A_2] : memref<32xi32, #tpu.memory_space<smem>>
    %sub3A = arith.constant 1 : i32
    %sub3A_4 = arith.subi %arg0, %sub3A : i32
    %max3A = arith.constant 0 : i32
    %max3A_5 = arith.maxsi %sub3A_4, %max3A : i32
    %get3A_6 = arith.index_cast %max3A_5 : i32 to index
    %get3A_7 = memref.load %arg1[%get3A_6] : memref<32xi32, #tpu.memory_space<smem>>
    %ne3A = arith.cmpi ne, %get3A_3, %get3A_7 : i32
    %or3A = arith.ori %eq3A_1, %ne3A : i1
    %lt3A = arith.cmpi slt, %arg0, %get3A_0 : i32
    %and3A = arith.andi %lt3A, %or3A : i1
    %convert_element_type3A = arith.extui %and3A : i1 to i32
    %cond3A = arith.constant 0 : i32
    %cond3A_8 = arith.cmpi ne, %convert_element_type3A, %cond3A : i32
    scf.if %cond3A_8 {
      %get3A_13 = arith.constant 0 : index
      %get3A_14 = arith.constant 0 : index
      %get3A_15 = arith.constant 0 : index
      %get3A_16 = vector.load %arg3[%get3A_13, %get3A_14, %get3A_15] : memref<1x1024x768xf32, #tpu.memory_space<vmem>>, vector<1x1024x768xf32>
      %get3A_17 = vector.shape_cast %get3A_16 : vector<1x1024x768xf32> to vector<1024x768xf32>
      %convert_element_type3A_18 = arith.truncf %get3A_17 : vector<1024x768xf32> to vector<1024x768xbf16>
      %swap3A = arith.constant 0 : index
      %swap3A_19 = arith.constant 0 : index
      %swap3A_20 = vector.load %arg7[%swap3A, %swap3A_19] : memref<1024x768xbf16, #tpu.memory_space<vmem>>, vector<1024x768xbf16>
      tpu.vector_store %arg7[%swap3A, %swap3A_19], %convert_element_type3A_18 {strides = array<i32>} : memref<1024x768xbf16, #tpu.memory_space<vmem>>, vector<1024x768xbf16>,
      %get3A_21 = arith.constant 0 : index
      %get3A_22 = arith.constant 0 : index
      %get3A_23 = arith.constant 0 : index
      %get3A_24 = vector.load %arg4[%get3A_21, %get3A_22, %get3A_23] : memref<1x1024x768xf32, #tpu.memory_space<vmem>>, vector<1x1024x768xf32>
      %get3A_25 = vector.shape_cast %get3A_24 : vector<1x1024x768xf32> to vector<1024x768xf32>
      %convert_element_type3A_26 = arith.truncf %get3A_25 : vector<1024x768xf32> to vector<1024x768xbf16>
      %swap3A_27 = arith.constant 0 : index
      %swap3A_28 = arith.constant 0 : index
      %swap3A_29 = vector.load %arg8[%swap3A_27, %swap3A_28] : memref<1024x768xbf16, #tpu.memory_space<vmem>>, vector<1024x768xbf16>
      tpu.vector_store %arg8[%swap3A_27, %swap3A_28], %convert_element_type3A_26 {strides = array<i32>} : memref<1024x768xbf16, #tpu.memory_space<vmem>>, vector<1024x768xbf16>,
      %get3A_30 = arith.constant 0 : index
      %get3A_31 = arith.constant 0 : index
      %get3A_32 = arith.constant 0 : index
      %get3A_33 = vector.load %arg5[%get3A_30, %get3A_31, %get3A_32] : memref<1x768x1024xf32, #tpu.memory_space<vmem>>, vector<1x768x1024xf32>
      %get3A_34 = vector.shape_cast %get3A_33 : vector<1x768x1024xf32> to vector<768x1024xf32>
      %convert_element_type3A_35 = arith.truncf %get3A_34 : vector<768x1024xf32> to vector<768x1024xbf16>
      %swap3A_36 = arith.constant 0 : index
      %swap3A_37 = arith.constant 0 : index
      %swap3A_38 = vector.load %arg9[%swap3A_36, %swap3A_37] : memref<768x1024xbf16, #tpu.memory_space<vmem>>, vector<768x1024xbf16>
      tpu.vector_store %arg9[%swap3A_36, %swap3A_37], %convert_element_type3A_35 {strides = array<i32>} : memref<768x1024xbf16, #tpu.memory_space<vmem>>, vector<768x1024xbf16>,
    } else {
    }
    %lt3A_9 = arith.cmpi slt, %arg0, %get3A_0 : i32
    %convert_element_type3A_10 = arith.extui %lt3A_9 : i1 to i32
    %cond3A_11 = arith.constant 0 : i32
    %cond3A_12 = arith.cmpi ne, %convert_element_type3A_10, %cond3A_11 : i32
    scf.if %cond3A_12 {
      %get3A_13 = tpu.memref_bitcast %arg2 : memref<256x512xi32, #tpu.memory_space<vmem>> -> memref<512x512xbf16, #tpu.memory_space<vmem>>
      %get3A_14 = arith.constant 0 : index
      %get3A_15 = arith.constant 0 : index
      %get3A_16 = vector.load %get3A_13[%get3A_14, %get3A_15] : memref<512x512xbf16, #tpu.memory_space<vmem>>, vector<512x512xbf16>
      %reshape3A = vector.shape_cast %get3A_16 : vector<512x512xbf16> to vector<256x1024xbf16>
      %get3A_17 = arith.constant 0 : index
      %get3A_18 = arith.constant 0 : index
      %get3A_19 = vector.load %arg7[%get3A_17, %get3A_18] : memref<1024x768xbf16, #tpu.memory_space<vmem>>, vector<1024x768xbf16>
      %dot_general3A = arith.constant dense<0.000000e+00> : vector<256x768xf32>
      %dot_general3A_20 = tpu.matmul %reshape3A, %get3A_19, %dot_general3A {dimension_numbers = #tpu.dot_dimension_numbers<[1], [0], [0], [1], [0, 0, 1, 1], [], []>, transpose_lhs_hint = false} : vector<256x1024xbf16>, vector<1024x768xbf16>, vector<256x768xf32> -> vector<256x768xf32>
      %get3A_21 = arith.constant 0 : index
      %get3A_22 = arith.constant 0 : index
      %get3A_23 = vector.load %arg8[%get3A_21, %get3A_22] : memref<1024x768xbf16, #tpu.memory_space<vmem>>, vector<1024x768xbf16>
      %dot_general3A_24 = arith.constant dense<0.000000e+00> : vector<256x768xf32>
      %dot_general3A_25 = tpu.matmul %reshape3A, %get3A_23, %dot_general3A_24 {dimension_numbers = #tpu.dot_dimension_numbers<[1], [0], [0], [1], [0, 0, 1, 1], [], []>, transpose_lhs_hint = false} : vector<256x1024xbf16>, vector<1024x768xbf16>, vector<256x768xf32> -> vector<256x768xf32>
      %logistic3A = arith.negf %dot_general3A_20 : vector<256x768xf32>
      %logistic3A_26 = math.exp %logistic3A : vector<256x768xf32>
      %logistic3A_27 = arith.constant 1.000000e+00 : f32
      %logistic3A_28 = vector.broadcast %logistic3A_27 : f32 to vector<256x768xf32>
      %logistic3A_29 = arith.addf %logistic3A_28, %logistic3A_26 : vector<256x768xf32>
      %logistic3A_30 = arith.divf %logistic3A_28, %logistic3A_29 : vector<256x768xf32>
      %mul3A = arith.mulf %dot_general3A_20, %logistic3A_30 : vector<256x768xf32>
      %mul3A_31 = arith.mulf %mul3A, %dot_general3A_25 : vector<256x768xf32>
      %convert_element_type3A_32 = arith.truncf %mul3A_31 : vector<256x768xf32> to vector<256x768xbf16>
      %get3A_33 = arith.constant 0 : index
      %get3A_34 = arith.constant 0 : index
      %get3A_35 = vector.load %arg9[%get3A_33, %get3A_34] : memref<768x1024xbf16, #tpu.memory_space<vmem>>, vector<768x1024xbf16>
      %dot_general3A_36 = arith.constant dense<0.000000e+00> : vector<256x1024xf32>
      %dot_general3A_37 = tpu.matmul %convert_element_type3A_32, %get3A_35, %dot_general3A_36 {dimension_numbers = #tpu.dot_dimension_numbers<[1], [0], [0], [1], [0, 0, 1, 1], [], []>, transpose_lhs_hint = false} : vector<256x768xbf16>, vector<768x1024xbf16>, vector<256x1024xf32> -> vector<256x1024xf32>
      %convert_element_type3A_38 = arith.truncf %dot_general3A_37 : vector<256x1024xf32> to vector<256x1024xbf16>
      %reshape3A_39 = vector.shape_cast %convert_element_type3A_38 : vector<256x1024xbf16> to vector<512x512xbf16>
      %swap3A = tpu.memref_bitcast %arg6 : memref<256x512xi32, #tpu.memory_space<vmem>> -> memref<512x512xbf16, #tpu.memory_space<vmem>>
      %swap3A_40 = arith.constant 0 : index
      %swap3A_41 = arith.constant 0 : index
      %swap3A_42 = vector.load %swap3A[%swap3A_40, %swap3A_41] : memref<512x512xbf16, #tpu.memory_space<vmem>>, vector<512x512xbf16>
      tpu.vector_store %swap3A[%swap3A_40, %swap3A_41], %reshape3A_39 {strides = array<i32>} : memref<512x512xbf16, #tpu.memory_space<vmem>>, vector<512x512xbf16>,
    } else {
    }
    return
  }
  func.func @transform_0(%arg0: i32, %arg1: memref<32xi32, #tpu.memory_space<smem>>) -> (i32, i32) {
    %get3A = arith.constant 23 : index
    %get3A_0 = memref.load %arg1[%get3A] : memref<32xi32, #tpu.memory_space<smem>>
    %sub3A = arith.constant 1 : i32
    %sub3A_1 = arith.subi %get3A_0, %sub3A : i32
    %min3A = arith.minsi %arg0, %sub3A_1 : i32
    %c0_i32 = arith.constant 0 : i32
    %c0_i32_2 = arith.constant 0 : i32
    return %min3A, %c0_i32 : i32, i32
  }
  func.func @transform_1(%arg0: i32, %arg1: memref<32xi32, #tpu.memory_space<smem>>) -> (i32, i32, i32) {
    %get3A = arith.index_cast %arg0 : i32 to index
    %get3A_0 = memref.load %arg1[%get3A] : memref<32xi32, #tpu.memory_space<smem>>
    %c0_i32 = arith.constant 0 : i32
    %c0_i32_1 = arith.constant 0 : i32
    %c0_i32_2 = arith.constant 0 : i32
    return %get3A_0, %c0_i32, %c0_i32_1 : i32, i32, i32
  }
  func.func @transform_2(%arg0: i32, %arg1: memref<32xi32, #tpu.memory_space<smem>>) -> (i32, i32, i32) {
    %get3A = arith.index_cast %arg0 : i32 to index
    %get3A_0 = memref.load %arg1[%get3A] : memref<32xi32, #tpu.memory_space<smem>>
    %c0_i32 = arith.constant 0 : i32
    %c0_i32_1 = arith.constant 0 : i32
    %c0_i32_2 = arith.constant 0 : i32
    return %get3A_0, %c0_i32, %c0_i32_1 : i32, i32, i32
  }
  func.func @transform_3(%arg0: i32, %arg1: memref<32xi32, #tpu.memory_space<smem>>) -> (i32, i32, i32) {
    %get3A = arith.index_cast %arg0 : i32 to index
    %get3A_0 = memref.load %arg1[%get3A] : memref<32xi32, #tpu.memory_space<smem>>
    %c0_i32 = arith.constant 0 : i32
    %c0_i32_1 = arith.constant 0 : i32
    %c0_i32_2 = arith.constant 0 : i32
    return %get3A_0, %c0_i32, %c0_i32_1 : i32, i32, i32
  }
  func.func @transform_4(%arg0: i32, %arg1: memref<32xi32, #tpu.memory_space<smem>>) -> (i32, i32) {
    %get3A = arith.constant 23 : index
    %get3A_0 = memref.load %arg1[%get3A] : memref<32xi32, #tpu.memory_space<smem>>
    %sub3A = arith.constant 1 : i32
    %sub3A_1 = arith.subi %get3A_0, %sub3A : i32
    %min3A = arith.minsi %arg0, %sub3A_1 : i32
    %c0_i32 = arith.constant 0 : i32
    %c0_i32_2 = arith.constant 0 : i32
    return %min3A, %c0_i32 : i32, i32
  }
}

module attributes {stable_mosaic.version = 14 : i64} {
  func.func @_add_body(%arg0: i32, %arg1: memref<256x512xi32, #tpu.memory_space<vmem>>, %arg2: memref<256x512xi32, #tpu.memory_space<vmem>>, %arg3: memref<256x16xf32, #tpu.memory_space<vmem>>, %arg4: memref<256x16xf32, #tpu.memory_space<vmem>>, %arg5: memref<256x1024xf32, #tpu.memory_space<vmem>>) attributes {dimension_semantics = [#tpu.dimension_semantics<arbitrary>], iteration_bounds = array<i64: 8>, scalar_prefetch = 0 : i64, scratch_operands = 0 : i64, tpu.core_type = #tpu.core_type<tc>, window_params = [{transform_indices = @transform_0, window_bounds = array<i64: 256, 512>}, {transform_indices = @transform_1, window_bounds = array<i64: 256, 512>}, {transform_indices = @transform_2, window_bounds = array<i64: 256, 16>}, {transform_indices = @transform_3, window_bounds = array<i64: 256, 16>}, {transform_indices = @transform_4, window_bounds = array<i64: 256, 1024>}]} {
    %get3A = tpu.memref_bitcast %arg1 : memref<256x512xi32, #tpu.memory_space<vmem>> -> memref<512x512xbf16, #tpu.memory_space<vmem>>
    %get3A_0 = arith.constant 0 : index
    %get3A_1 = arith.constant 0 : index
    %get3A_2 = vector.load %get3A[%get3A_0, %get3A_1] : memref<512x512xbf16, #tpu.memory_space<vmem>>, vector<512x512xbf16>
    %reshape3A = vector.shape_cast %get3A_2 : vector<512x512xbf16> to vector<256x1024xbf16>
    %convert_element_type3A = arith.extf %reshape3A : vector<256x1024xbf16> to vector<256x1024xf32>
    %get3A_3 = tpu.memref_bitcast %arg2 : memref<256x512xi32, #tpu.memory_space<vmem>> -> memref<512x512xbf16, #tpu.memory_space<vmem>>
    %get3A_4 = arith.constant 0 : index
    %get3A_5 = arith.constant 0 : index
    %get3A_6 = vector.load %get3A_3[%get3A_4, %get3A_5] : memref<512x512xbf16, #tpu.memory_space<vmem>>, vector<512x512xbf16>
    %reshape3A_7 = vector.shape_cast %get3A_6 : vector<512x512xbf16> to vector<256x1024xbf16>
    %convert_element_type3A_8 = arith.extf %reshape3A_7 : vector<256x1024xbf16> to vector<256x1024xf32>
    %get3A_9 = arith.constant 0 : index
    %get3A_10 = arith.constant 0 : index
    %get3A_11 = vector.load %arg3[%get3A_9, %get3A_10] : memref<256x16xf32, #tpu.memory_space<vmem>>, vector<256x1xf32>
    %mul3A = vector.broadcast %get3A_11 : vector<256x1xf32> to vector<256x1024xf32>
    %mul3A_12 = arith.mulf %convert_element_type3A, %mul3A : vector<256x1024xf32>
    %get3A_13 = arith.constant 0 : index
    %get3A_14 = arith.constant 0 : index
    %get3A_15 = vector.load %arg4[%get3A_13, %get3A_14] : memref<256x16xf32, #tpu.memory_space<vmem>>, vector<256x1xf32>
    %mul3A_16 = vector.broadcast %get3A_15 : vector<256x1xf32> to vector<256x1024xf32>
    %mul3A_17 = arith.mulf %convert_element_type3A_8, %mul3A_16 : vector<256x1024xf32>
    %add3A = arith.addf %mul3A_12, %mul3A_17 : vector<256x1024xf32>
    %swap3A = arith.constant 0 : index
    %swap3A_18 = arith.constant 0 : index
    %swap3A_19 = vector.load %arg5[%swap3A, %swap3A_18] : memref<256x1024xf32, #tpu.memory_space<vmem>>, vector<256x1024xf32>
    tpu.vector_store %arg5[%swap3A, %swap3A_18], %add3A {strides = array<i32>} : memref<256x1024xf32, #tpu.memory_space<vmem>>, vector<256x1024xf32>,
    return
  }
  func.func @transform_0(%arg0: i32) -> (i32, i32) {
    %c0_i32 = arith.constant 0 : i32
    %c0_i32_0 = arith.constant 0 : i32
    return %arg0, %c0_i32 : i32, i32
  }
  func.func @transform_1(%arg0: i32) -> (i32, i32) {
    %c0_i32 = arith.constant 0 : i32
    %c0_i32_0 = arith.constant 0 : i32
    return %arg0, %c0_i32 : i32, i32
  }
  func.func @transform_2(%arg0: i32) -> (i32, i32) {
    %c0_i32 = arith.constant 0 : i32
    %c0_i32_0 = arith.constant 0 : i32
    return %arg0, %c0_i32 : i32, i32
  }
  func.func @transform_3(%arg0: i32) -> (i32, i32) {
    %c0_i32 = arith.constant 0 : i32
    %c0_i32_0 = arith.constant 0 : i32
    return %arg0, %c0_i32 : i32, i32
  }
  func.func @transform_4(%arg0: i32) -> (i32, i32) {
    %c0_i32 = arith.constant 0 : i32
    %c0_i32_0 = arith.constant 0 : i32
    return %arg0, %c0_i32 : i32, i32
  }
}

module attributes {stable_mosaic.version = 14 : i64} {
  func.func @_routing_body(%arg0: memref<2048x1024xf32, #tpu.memory_space<vmem>>, %arg1: memref<1024x8xf32, #tpu.memory_space<vmem>>, %arg2: memref<2048xi32, #tpu.memory_space<vmem>>, %arg3: memref<2048xi32, #tpu.memory_space<vmem>>, %arg4: memref<2048x16xf32, #tpu.memory_space<vmem>>, %arg5: memref<2048x16xf32, #tpu.memory_space<vmem>>, %arg6: memref<32xi32, #tpu.memory_space<vmem>>, %arg7: memref<2048x512xi32, #tpu.memory_space<vmem>>) attributes {dimension_semantics = [], scalar_prefetch = 0 : i64, scratch_operands = 0 : i64, tpu.core_type = #tpu.core_type<tc>} {
    %get3A = arith.constant 0 : index
    %get3A_0 = arith.constant 0 : index
    %get3A_1 = vector.load %arg0[%get3A, %get3A_0] : memref<2048x1024xf32, #tpu.memory_space<vmem>>, vector<2048x1024xf32>
    %convert_element_type3A = arith.truncf %get3A_1 : vector<2048x1024xf32> to vector<2048x1024xbf16>
    %reshape3A = vector.shape_cast %convert_element_type3A : vector<2048x1024xbf16> to vector<4096x512xbf16>
    %swap3A = tpu.memref_bitcast %arg7 : memref<2048x512xi32, #tpu.memory_space<vmem>> -> memref<4096x512xbf16, #tpu.memory_space<vmem>>
    %swap3A_2 = arith.constant 0 : index
    %swap3A_3 = arith.constant 0 : index
    %swap3A_4 = vector.load %swap3A[%swap3A_2, %swap3A_3] : memref<4096x512xbf16, #tpu.memory_space<vmem>>, vector<4096x512xbf16>
    tpu.vector_store %swap3A[%swap3A_2, %swap3A_3], %reshape3A {strides = array<i32>} : memref<4096x512xbf16, #tpu.memory_space<vmem>>, vector<4096x512xbf16>,
    %get3A_5 = arith.constant 0 : index
    %get3A_6 = arith.constant 0 : index
    %get3A_7 = vector.load %arg1[%get3A_5, %get3A_6] : memref<1024x8xf32, #tpu.memory_space<vmem>>, vector<1024x8xf32>
    %dot_general3A = arith.constant dense<0.000000e+00> : vector<2048x8xf32>
    %dot_general3A_8 = tpu.matmul %get3A_1, %get3A_7, %dot_general3A {dimension_numbers = #tpu.dot_dimension_numbers<[1], [0], [0], [1], [0, 0, 1, 1], [], []>, transpose_lhs_hint = false} : vector<2048x1024xf32>, vector<1024x8xf32>, vector<2048x8xf32> -> vector<2048x8xf32>
    %reduce_max3A = arith.constant dense<0xFF800000> : vector<2048xf32>
    %reduce_max3A_9 = vector.multi_reduction <maximumf>, %dot_general3A_8, %reduce_max3A [1] : vector<2048x8xf32> to vector<2048xf32>
    %broadcast_in_dim3A = vector.shape_cast %reduce_max3A_9 : vector<2048xf32> to vector<2048x1xf32>
    %argmax3A = tpu.reduce_index %dot_general3A_8 {axis = 1 : i32, kind = #tpu.reduction_kind<arg_max>} : vector<2048x8xf32> -> vector<2048xi32>
    %broadcast_in_dim3A_10 = vector.shape_cast %argmax3A : vector<2048xi32> to vector<2048x1xi32>
    %iota3A = tpu.iota {dimensions = array<i32: 1>} : vector<2048x8xi32>
    %eq3A = vector.broadcast %broadcast_in_dim3A_10 : vector<2048x1xi32> to vector<2048x8xi32>
    %eq3A_11 = arith.cmpi eq, %iota3A, %eq3A : vector<2048x8xi32>
    %jit3A = arith.constant 0xFF800000 : f32
    %broadcast_in_dim3A_12 = vector.broadcast %jit3A : f32 to vector<2048x8xf32>
    %select_n3A = arith.select %eq3A_11, %broadcast_in_dim3A_12, %dot_general3A_8 : vector<2048x8xi1>, vector<2048x8xf32>
    %reduce_max3A_13 = arith.constant dense<0xFF800000> : vector<2048xf32>
    %reduce_max3A_14 = vector.multi_reduction <maximumf>, %select_n3A, %reduce_max3A_13 [1] : vector<2048x8xf32> to vector<2048xf32>
    %broadcast_in_dim3A_15 = vector.shape_cast %reduce_max3A_14 : vector<2048xf32> to vector<2048x1xf32>
    %argmax3A_16 = tpu.reduce_index %select_n3A {axis = 1 : i32, kind = #tpu.reduction_kind<arg_max>} : vector<2048x8xf32> -> vector<2048xi32>
    %broadcast_in_dim3A_17 = vector.shape_cast %argmax3A_16 : vector<2048xi32> to vector<2048x1xi32>
    %sub3A = arith.subf %broadcast_in_dim3A_15, %broadcast_in_dim3A : vector<2048x1xf32>
    %exp3A = math.exp %sub3A : vector<2048x1xf32>
    %add3A = arith.constant 1.000000e+00 : f32
    %add3A_18 = vector.broadcast %add3A : f32 to vector<2048x1xf32>
    %add3A_19 = arith.addf %add3A_18, %exp3A : vector<2048x1xf32>
    %div3A = arith.constant 1.000000e+00 : f32
    %div3A_20 = vector.broadcast %div3A : f32 to vector<2048x1xf32>
    %div3A_21 = arith.divf %div3A_20, %add3A_19 : vector<2048x1xf32>
    %sub3A_22 = arith.constant 1.000000e+00 : f32
    %sub3A_23 = vector.broadcast %sub3A_22 : f32 to vector<2048x1xf32>
    %sub3A_24 = arith.subf %sub3A_23, %div3A_21 : vector<2048x1xf32>
    %eq3A_25 = vector.broadcast %broadcast_in_dim3A_10 : vector<2048x1xi32> to vector<2048x8xi32>
    %eq3A_26 = arith.cmpi eq, %iota3A, %eq3A_25 : vector<2048x8xi32>
    %eq3A_27 = vector.broadcast %broadcast_in_dim3A_17 : vector<2048x1xi32> to vector<2048x8xi32>
    %eq3A_28 = arith.cmpi eq, %iota3A, %eq3A_27 : vector<2048x8xi32>
    %or3A = arith.ori %eq3A_26, %eq3A_28 : vector<2048x8xi1>
    %convert_element_type3A_29 = arith.extui %or3A : vector<2048x8xi1> to vector<2048x8xi32>
    %convert_element_type3A_30 = arith.sitofp %convert_element_type3A_29 : vector<2048x8xi32> to vector<2048x8xf32>
    %convert_element_type3A_31 = arith.truncf %convert_element_type3A_30 : vector<2048x8xf32> to vector<2048x8xbf16>
    %iota3A_32 = tpu.iota {dimensions = array<i32: 0>} : vector<256x256xi32>
    %iota3A_33 = tpu.iota {dimensions = array<i32: 1>} : vector<256x256xi32>
    %lt3A = arith.cmpi slt, %iota3A_33, %iota3A_32 : vector<256x256xi32>
    %convert_element_type3A_34 = arith.extui %lt3A : vector<256x256xi1> to vector<256x256xi32>
    %convert_element_type3A_35 = arith.sitofp %convert_element_type3A_34 : vector<256x256xi32> to vector<256x256xf32>
    %convert_element_type3A_36 = arith.truncf %convert_element_type3A_35 : vector<256x256xf32> to vector<256x256xbf16>
    %reshape3A_37 = vector.shape_cast %convert_element_type3A_31 : vector<2048x8xbf16> to vector<8x256x8xbf16>
    %slice3A = vector.extract_strided_slice %reshape3A_37 {offsets = [0, 0, 0], sizes = [1, 256, 8], strides = [1, 1, 1]} : vector<8x256x8xbf16> to vector<1x256x8xbf16>
    %squeeze3A = vector.shape_cast %slice3A : vector<1x256x8xbf16> to vector<256x8xbf16>
    %dot_general3A_38 = arith.constant dense<0.000000e+00> : vector<256x8xf32>
    %dot_general3A_39 = tpu.matmul %convert_element_type3A_36, %squeeze3A, %dot_general3A_38 {dimension_numbers = #tpu.dot_dimension_numbers<[1], [0], [0], [1], [0, 0, 1, 1], [], []>, transpose_lhs_hint = false} : vector<256x256xbf16>, vector<256x8xbf16>, vector<256x8xf32> -> vector<256x8xf32>
    %slice3A_40 = vector.extract_strided_slice %reshape3A_37 {offsets = [1, 0, 0], sizes = [1, 256, 8], strides = [1, 1, 1]} : vector<8x256x8xbf16> to vector<1x256x8xbf16>
    %squeeze3A_41 = vector.shape_cast %slice3A_40 : vector<1x256x8xbf16> to vector<256x8xbf16>
    %dot_general3A_42 = arith.constant dense<0.000000e+00> : vector<256x8xf32>
    %dot_general3A_43 = tpu.matmul %convert_element_type3A_36, %squeeze3A_41, %dot_general3A_42 {dimension_numbers = #tpu.dot_dimension_numbers<[1], [0], [0], [1], [0, 0, 1, 1], [], []>, transpose_lhs_hint = false} : vector<256x256xbf16>, vector<256x8xbf16>, vector<256x8xf32> -> vector<256x8xf32>
    %slice3A_44 = vector.extract_strided_slice %reshape3A_37 {offsets = [2, 0, 0], sizes = [1, 256, 8], strides = [1, 1, 1]} : vector<8x256x8xbf16> to vector<1x256x8xbf16>
    %squeeze3A_45 = vector.shape_cast %slice3A_44 : vector<1x256x8xbf16> to vector<256x8xbf16>
    %dot_general3A_46 = arith.constant dense<0.000000e+00> : vector<256x8xf32>
    %dot_general3A_47 = tpu.matmul %convert_element_type3A_36, %squeeze3A_45, %dot_general3A_46 {dimension_numbers = #tpu.dot_dimension_numbers<[1], [0], [0], [1], [0, 0, 1, 1], [], []>, transpose_lhs_hint = false} : vector<256x256xbf16>, vector<256x8xbf16>, vector<256x8xf32> -> vector<256x8xf32>
    %slice3A_48 = vector.extract_strided_slice %reshape3A_37 {offsets = [3, 0, 0], sizes = [1, 256, 8], strides = [1, 1, 1]} : vector<8x256x8xbf16> to vector<1x256x8xbf16>
    %squeeze3A_49 = vector.shape_cast %slice3A_48 : vector<1x256x8xbf16> to vector<256x8xbf16>
    %dot_general3A_50 = arith.constant dense<0.000000e+00> : vector<256x8xf32>
    %dot_general3A_51 = tpu.matmul %convert_element_type3A_36, %squeeze3A_49, %dot_general3A_50 {dimension_numbers = #tpu.dot_dimension_numbers<[1], [0], [0], [1], [0, 0, 1, 1], [], []>, transpose_lhs_hint = false} : vector<256x256xbf16>, vector<256x8xbf16>, vector<256x8xf32> -> vector<256x8xf32>
    %slice3A_52 = vector.extract_strided_slice %reshape3A_37 {offsets = [4, 0, 0], sizes = [1, 256, 8], strides = [1, 1, 1]} : vector<8x256x8xbf16> to vector<1x256x8xbf16>
    %squeeze3A_53 = vector.shape_cast %slice3A_52 : vector<1x256x8xbf16> to vector<256x8xbf16>
    %dot_general3A_54 = arith.constant dense<0.000000e+00> : vector<256x8xf32>
    %dot_general3A_55 = tpu.matmul %convert_element_type3A_36, %squeeze3A_53, %dot_general3A_54 {dimension_numbers = #tpu.dot_dimension_numbers<[1], [0], [0], [1], [0, 0, 1, 1], [], []>, transpose_lhs_hint = false} : vector<256x256xbf16>, vector<256x8xbf16>, vector<256x8xf32> -> vector<256x8xf32>
    %slice3A_56 = vector.extract_strided_slice %reshape3A_37 {offsets = [5, 0, 0], sizes = [1, 256, 8], strides = [1, 1, 1]} : vector<8x256x8xbf16> to vector<1x256x8xbf16>
    %squeeze3A_57 = vector.shape_cast %slice3A_56 : vector<1x256x8xbf16> to vector<256x8xbf16>
    %dot_general3A_58 = arith.constant dense<0.000000e+00> : vector<256x8xf32>
    %dot_general3A_59 = tpu.matmul %convert_element_type3A_36, %squeeze3A_57, %dot_general3A_58 {dimension_numbers = #tpu.dot_dimension_numbers<[1], [0], [0], [1], [0, 0, 1, 1], [], []>, transpose_lhs_hint = false} : vector<256x256xbf16>, vector<256x8xbf16>, vector<256x8xf32> -> vector<256x8xf32>
    %slice3A_60 = vector.extract_strided_slice %reshape3A_37 {offsets = [6, 0, 0], sizes = [1, 256, 8], strides = [1, 1, 1]} : vector<8x256x8xbf16> to vector<1x256x8xbf16>
    %squeeze3A_61 = vector.shape_cast %slice3A_60 : vector<1x256x8xbf16> to vector<256x8xbf16>
    %dot_general3A_62 = arith.constant dense<0.000000e+00> : vector<256x8xf32>
    %dot_general3A_63 = tpu.matmul %convert_element_type3A_36, %squeeze3A_61, %dot_general3A_62 {dimension_numbers = #tpu.dot_dimension_numbers<[1], [0], [0], [1], [0, 0, 1, 1], [], []>, transpose_lhs_hint = false} : vector<256x256xbf16>, vector<256x8xbf16>, vector<256x8xf32> -> vector<256x8xf32>
    %slice3A_64 = vector.extract_strided_slice %reshape3A_37 {offsets = [7, 0, 0], sizes = [1, 256, 8], strides = [1, 1, 1]} : vector<8x256x8xbf16> to vector<1x256x8xbf16>
    %squeeze3A_65 = vector.shape_cast %slice3A_64 : vector<1x256x8xbf16> to vector<256x8xbf16>
    %dot_general3A_66 = arith.constant dense<0.000000e+00> : vector<256x8xf32>
    %dot_general3A_67 = tpu.matmul %convert_element_type3A_36, %squeeze3A_65, %dot_general3A_66 {dimension_numbers = #tpu.dot_dimension_numbers<[1], [0], [0], [1], [0, 0, 1, 1], [], []>, transpose_lhs_hint = false} : vector<256x256xbf16>, vector<256x8xbf16>, vector<256x8xf32> -> vector<256x8xf32>
    %slice3A_68 = vector.extract_strided_slice %reshape3A_37 {offsets = [0, 0, 0], sizes = [1, 256, 8], strides = [1, 1, 1]} : vector<8x256x8xbf16> to vector<1x256x8xbf16>
    %squeeze3A_69 = vector.shape_cast %slice3A_68 : vector<1x256x8xbf16> to vector<256x8xbf16>
    %convert_element_type3A_70 = arith.extf %squeeze3A_69 : vector<256x8xbf16> to vector<256x8xf32>
    %reduce_sum3A = arith.constant dense<0.000000e+00> : vector<8xf32>
    %reduce_sum3A_71 = vector.multi_reduction <add>, %convert_element_type3A_70, %reduce_sum3A [0] : vector<256x8xf32> to vector<8xf32>
    %slice3A_72 = vector.extract_strided_slice %reshape3A_37 {offsets = [1, 0, 0], sizes = [1, 256, 8], strides = [1, 1, 1]} : vector<8x256x8xbf16> to vector<1x256x8xbf16>
    %squeeze3A_73 = vector.shape_cast %slice3A_72 : vector<1x256x8xbf16> to vector<256x8xbf16>
    %convert_element_type3A_74 = arith.extf %squeeze3A_73 : vector<256x8xbf16> to vector<256x8xf32>
    %reduce_sum3A_75 = arith.constant dense<0.000000e+00> : vector<8xf32>
    %reduce_sum3A_76 = vector.multi_reduction <add>, %convert_element_type3A_74, %reduce_sum3A_75 [0] : vector<256x8xf32> to vector<8xf32>
    %slice3A_77 = vector.extract_strided_slice %reshape3A_37 {offsets = [2, 0, 0], sizes = [1, 256, 8], strides = [1, 1, 1]} : vector<8x256x8xbf16> to vector<1x256x8xbf16>
    %squeeze3A_78 = vector.shape_cast %slice3A_77 : vector<1x256x8xbf16> to vector<256x8xbf16>
    %convert_element_type3A_79 = arith.extf %squeeze3A_78 : vector<256x8xbf16> to vector<256x8xf32>
    %reduce_sum3A_80 = arith.constant dense<0.000000e+00> : vector<8xf32>
    %reduce_sum3A_81 = vector.multi_reduction <add>, %convert_element_type3A_79, %reduce_sum3A_80 [0] : vector<256x8xf32> to vector<8xf32>
    %slice3A_82 = vector.extract_strided_slice %reshape3A_37 {offsets = [3, 0, 0], sizes = [1, 256, 8], strides = [1, 1, 1]} : vector<8x256x8xbf16> to vector<1x256x8xbf16>
    %squeeze3A_83 = vector.shape_cast %slice3A_82 : vector<1x256x8xbf16> to vector<256x8xbf16>
    %convert_element_type3A_84 = arith.extf %squeeze3A_83 : vector<256x8xbf16> to vector<256x8xf32>
    %reduce_sum3A_85 = arith.constant dense<0.000000e+00> : vector<8xf32>
    %reduce_sum3A_86 = vector.multi_reduction <add>, %convert_element_type3A_84, %reduce_sum3A_85 [0] : vector<256x8xf32> to vector<8xf32>
    %slice3A_87 = vector.extract_strided_slice %reshape3A_37 {offsets = [4, 0, 0], sizes = [1, 256, 8], strides = [1, 1, 1]} : vector<8x256x8xbf16> to vector<1x256x8xbf16>
    %squeeze3A_88 = vector.shape_cast %slice3A_87 : vector<1x256x8xbf16> to vector<256x8xbf16>
    %convert_element_type3A_89 = arith.extf %squeeze3A_88 : vector<256x8xbf16> to vector<256x8xf32>
    %reduce_sum3A_90 = arith.constant dense<0.000000e+00> : vector<8xf32>
    %reduce_sum3A_91 = vector.multi_reduction <add>, %convert_element_type3A_89, %reduce_sum3A_90 [0] : vector<256x8xf32> to vector<8xf32>
    %slice3A_92 = vector.extract_strided_slice %reshape3A_37 {offsets = [5, 0, 0], sizes = [1, 256, 8], strides = [1, 1, 1]} : vector<8x256x8xbf16> to vector<1x256x8xbf16>
    %squeeze3A_93 = vector.shape_cast %slice3A_92 : vector<1x256x8xbf16> to vector<256x8xbf16>
    %convert_element_type3A_94 = arith.extf %squeeze3A_93 : vector<256x8xbf16> to vector<256x8xf32>
    %reduce_sum3A_95 = arith.constant dense<0.000000e+00> : vector<8xf32>
    %reduce_sum3A_96 = vector.multi_reduction <add>, %convert_element_type3A_94, %reduce_sum3A_95 [0] : vector<256x8xf32> to vector<8xf32>
    %slice3A_97 = vector.extract_strided_slice %reshape3A_37 {offsets = [6, 0, 0], sizes = [1, 256, 8], strides = [1, 1, 1]} : vector<8x256x8xbf16> to vector<1x256x8xbf16>
    %squeeze3A_98 = vector.shape_cast %slice3A_97 : vector<1x256x8xbf16> to vector<256x8xbf16>
    %convert_element_type3A_99 = arith.extf %squeeze3A_98 : vector<256x8xbf16> to vector<256x8xf32>
    %reduce_sum3A_100 = arith.constant dense<0.000000e+00> : vector<8xf32>
    %reduce_sum3A_101 = vector.multi_reduction <add>, %convert_element_type3A_99, %reduce_sum3A_100 [0] : vector<256x8xf32> to vector<8xf32>
    %slice3A_102 = vector.extract_strided_slice %reshape3A_37 {offsets = [7, 0, 0], sizes = [1, 256, 8], strides = [1, 1, 1]} : vector<8x256x8xbf16> to vector<1x256x8xbf16>
    %squeeze3A_103 = vector.shape_cast %slice3A_102 : vector<1x256x8xbf16> to vector<256x8xbf16>
    %convert_element_type3A_104 = arith.extf %squeeze3A_103 : vector<256x8xbf16> to vector<256x8xf32>
    %reduce_sum3A_105 = arith.constant dense<0.000000e+00> : vector<8xf32>
    %reduce_sum3A_106 = vector.multi_reduction <add>, %convert_element_type3A_104, %reduce_sum3A_105 [0] : vector<256x8xf32> to vector<8xf32>
    %stack3A = vector.shape_cast %reduce_sum3A_71 : vector<8xf32> to vector<1x8xf32>
    %stack3A_107 = vector.shape_cast %reduce_sum3A_76 : vector<8xf32> to vector<1x8xf32>
    %stack3A_108 = vector.shape_cast %reduce_sum3A_81 : vector<8xf32> to vector<1x8xf32>
    %stack3A_109 = vector.shape_cast %reduce_sum3A_86 : vector<8xf32> to vector<1x8xf32>
    %stack3A_110 = vector.shape_cast %reduce_sum3A_91 : vector<8xf32> to vector<1x8xf32>
    %stack3A_111 = vector.shape_cast %reduce_sum3A_96 : vector<8xf32> to vector<1x8xf32>
    %stack3A_112 = vector.shape_cast %reduce_sum3A_101 : vector<8xf32> to vector<1x8xf32>
    %stack3A_113 = vector.shape_cast %reduce_sum3A_106 : vector<8xf32> to vector<1x8xf32>
    %stack3A_114 = tpu.concatenate %stack3A, %stack3A_107, %stack3A_108, %stack3A_109, %stack3A_110, %stack3A_111, %stack3A_112, %stack3A_113 in 0 : vector<1x8xf32>, vector<1x8xf32>, vector<1x8xf32>, vector<1x8xf32>, vector<1x8xf32>, vector<1x8xf32>, vector<1x8xf32>, vector<1x8xf32> -> vector<8x8xf32>
    %iota3A_115 = tpu.iota {dimensions = array<i32: 0>} : vector<8x8xi32>
    %iota3A_116 = tpu.iota {dimensions = array<i32: 1>} : vector<8x8xi32>
    %lt3A_117 = arith.cmpi slt, %iota3A_116, %iota3A_115 : vector<8x8xi32>
    %convert_element_type3A_118 = arith.extui %lt3A_117 : vector<8x8xi1> to vector<8x8xi32>
    %convert_element_type3A_119 = arith.sitofp %convert_element_type3A_118 : vector<8x8xi32> to vector<8x8xf32>
    %dot_general3A_120 = arith.constant dense<0.000000e+00> : vector<8x8xf32>
    %dot_general3A_121 = tpu.matmul %convert_element_type3A_119, %stack3A_114, %dot_general3A_120 {dimension_numbers = #tpu.dot_dimension_numbers<[1], [0], [0], [1], [0, 0, 1, 1], [], []>, transpose_lhs_hint = false} : vector<8x8xf32>, vector<8x8xf32>, vector<8x8xf32> -> vector<8x8xf32>
    %slice3A_122 = vector.extract_strided_slice %dot_general3A_121 {offsets = [0, 0], sizes = [1, 8], strides = [1, 1]} : vector<8x8xf32> to vector<1x8xf32>
    %add3A_123 = vector.broadcast %slice3A_122 : vector<1x8xf32> to vector<256x8xf32>
    %add3A_124 = arith.addf %dot_general3A_39, %add3A_123 : vector<256x8xf32>
    %slice3A_125 = vector.extract_strided_slice %dot_general3A_121 {offsets = [1, 0], sizes = [1, 8], strides = [1, 1]} : vector<8x8xf32> to vector<1x8xf32>
    %add3A_126 = vector.broadcast %slice3A_125 : vector<1x8xf32> to vector<256x8xf32>
    %add3A_127 = arith.addf %dot_general3A_43, %add3A_126 : vector<256x8xf32>
    %slice3A_128 = vector.extract_strided_slice %dot_general3A_121 {offsets = [2, 0], sizes = [1, 8], strides = [1, 1]} : vector<8x8xf32> to vector<1x8xf32>
    %add3A_129 = vector.broadcast %slice3A_128 : vector<1x8xf32> to vector<256x8xf32>
    %add3A_130 = arith.addf %dot_general3A_47, %add3A_129 : vector<256x8xf32>
    %slice3A_131 = vector.extract_strided_slice %dot_general3A_121 {offsets = [3, 0], sizes = [1, 8], strides = [1, 1]} : vector<8x8xf32> to vector<1x8xf32>
    %add3A_132 = vector.broadcast %slice3A_131 : vector<1x8xf32> to vector<256x8xf32>
    %add3A_133 = arith.addf %dot_general3A_51, %add3A_132 : vector<256x8xf32>
    %slice3A_134 = vector.extract_strided_slice %dot_general3A_121 {offsets = [4, 0], sizes = [1, 8], strides = [1, 1]} : vector<8x8xf32> to vector<1x8xf32>
    %add3A_135 = vector.broadcast %slice3A_134 : vector<1x8xf32> to vector<256x8xf32>
    %add3A_136 = arith.addf %dot_general3A_55, %add3A_135 : vector<256x8xf32>
    %slice3A_137 = vector.extract_strided_slice %dot_general3A_121 {offsets = [5, 0], sizes = [1, 8], strides = [1, 1]} : vector<8x8xf32> to vector<1x8xf32>
    %add3A_138 = vector.broadcast %slice3A_137 : vector<1x8xf32> to vector<256x8xf32>
    %add3A_139 = arith.addf %dot_general3A_59, %add3A_138 : vector<256x8xf32>
    %slice3A_140 = vector.extract_strided_slice %dot_general3A_121 {offsets = [6, 0], sizes = [1, 8], strides = [1, 1]} : vector<8x8xf32> to vector<1x8xf32>
    %add3A_141 = vector.broadcast %slice3A_140 : vector<1x8xf32> to vector<256x8xf32>
    %add3A_142 = arith.addf %dot_general3A_63, %add3A_141 : vector<256x8xf32>
    %slice3A_143 = vector.extract_strided_slice %dot_general3A_121 {offsets = [7, 0], sizes = [1, 8], strides = [1, 1]} : vector<8x8xf32> to vector<1x8xf32>
    %add3A_144 = vector.broadcast %slice3A_143 : vector<1x8xf32> to vector<256x8xf32>
    %add3A_145 = arith.addf %dot_general3A_67, %add3A_144 : vector<256x8xf32>
    %concatenate3A = tpu.concatenate %add3A_124, %add3A_127, %add3A_130, %add3A_133, %add3A_136, %add3A_139, %add3A_142, %add3A_145 in 0 : vector<256x8xf32>, vector<256x8xf32>, vector<256x8xf32>, vector<256x8xf32>, vector<256x8xf32>, vector<256x8xf32>, vector<256x8xf32>, vector<256x8xf32> -> vector<2048x8xf32>
    %reduce_sum3A_146 = arith.constant dense<0.000000e+00> : vector<8xf32>
    %reduce_sum3A_147 = vector.multi_reduction <add>, %stack3A_114, %reduce_sum3A_146 [0] : vector<8x8xf32> to vector<8xf32>
    %broadcast_in_dim3A_148 = vector.shape_cast %reduce_sum3A_147 : vector<8xf32> to vector<1x8xf32>
    %div3A_149 = arith.constant 2.560000e+02 : f32
    %div3A_150 = vector.broadcast %div3A_149 : f32 to vector<1x8xf32>
    %div3A_151 = arith.divf %broadcast_in_dim3A_148, %div3A_150 : vector<1x8xf32>
    %ceil3A = math.ceil %div3A_151 : vector<1x8xf32>
    %mul3A = arith.constant 2.560000e+02 : f32
    %mul3A_152 = vector.broadcast %mul3A : f32 to vector<1x8xf32>
    %mul3A_153 = arith.mulf %ceil3A, %mul3A_152 : vector<1x8xf32>
    %iota3A_154 = tpu.iota {dimensions = array<i32: 0>} : vector<8x8xi32>
    %iota3A_155 = tpu.iota {dimensions = array<i32: 1>} : vector<8x8xi32>
    %lt3A_156 = arith.cmpi slt, %iota3A_154, %iota3A_155 : vector<8x8xi32>
    %convert_element_type3A_157 = arith.extui %lt3A_156 : vector<8x8xi1> to vector<8x8xi32>
    %convert_element_type3A_158 = arith.sitofp %convert_element_type3A_157 : vector<8x8xi32> to vector<8x8xf32>
    %dot_general3A_159 = arith.constant dense<0.000000e+00> : vector<1x8xf32>
    %dot_general3A_160 = tpu.matmul %mul3A_153, %convert_element_type3A_158, %dot_general3A_159 {dimension_numbers = #tpu.dot_dimension_numbers<[1], [0], [0], [1], [0, 0, 1, 1], [], []>, transpose_lhs_hint = false} : vector<1x8xf32>, vector<8x8xf32>, vector<1x8xf32> -> vector<1x8xf32>
    %add3A_161 = vector.broadcast %dot_general3A_160 : vector<1x8xf32> to vector<2048x8xf32>
    %add3A_162 = arith.addf %add3A_161, %concatenate3A : vector<2048x8xf32>
    %jit3A_163 = arith.constant 0.000000e+00 : f32
    %broadcast_in_dim3A_164 = vector.broadcast %jit3A_163 : f32 to vector<2048x8xf32>
    %select_n3A_165 = arith.select %eq3A_26, %add3A_162, %broadcast_in_dim3A_164 : vector<2048x8xi1>, vector<2048x8xf32>
    %reduce_sum3A_166 = arith.constant dense<0.000000e+00> : vector<2048xf32>
    %reduce_sum3A_167 = vector.multi_reduction <add>, %select_n3A_165, %reduce_sum3A_166 [1] : vector<2048x8xf32> to vector<2048xf32>
    %convert_element_type3A_168 = arith.fptosi %reduce_sum3A_167 : vector<2048xf32> to vector<2048xi32>
    %jit3A_169 = arith.constant 0.000000e+00 : f32
    %broadcast_in_dim3A_170 = vector.broadcast %jit3A_169 : f32 to vector<2048x8xf32>
    %select_n3A_171 = arith.select %eq3A_28, %add3A_162, %broadcast_in_dim3A_170 : vector<2048x8xi1>, vector<2048x8xf32>
    %reduce_sum3A_172 = arith.constant dense<0.000000e+00> : vector<2048xf32>
    %reduce_sum3A_173 = vector.multi_reduction <add>, %select_n3A_171, %reduce_sum3A_172 [1] : vector<2048x8xf32> to vector<2048xf32>
    %convert_element_type3A_174 = arith.fptosi %reduce_sum3A_173 : vector<2048xf32> to vector<2048xi32>
    %swap3A_175 = arith.constant 0 : index
    %swap3A_176 = vector.load %arg2[%swap3A_175] : memref<2048xi32, #tpu.memory_space<vmem>>, vector<2048xi32>
    tpu.vector_store %arg2[%swap3A_175], %convert_element_type3A_168 {strides = array<i32>} : memref<2048xi32, #tpu.memory_space<vmem>>, vector<2048xi32>,
    %swap3A_177 = arith.constant 0 : index
    %swap3A_178 = vector.load %arg3[%swap3A_177] : memref<2048xi32, #tpu.memory_space<vmem>>, vector<2048xi32>
    tpu.vector_store %arg3[%swap3A_177], %convert_element_type3A_174 {strides = array<i32>} : memref<2048xi32, #tpu.memory_space<vmem>>, vector<2048xi32>,
    %broadcast_in_dim3A_179 = vector.shape_cast %div3A_21 : vector<2048x1xf32> to vector<2048x1xf32>
    %broadcast_in_dim3A_180 = vector.broadcast %broadcast_in_dim3A_179 : vector<2048x1xf32> to vector<2048x16xf32>
    %swap3A_181 = arith.constant 0 : index
    %swap3A_182 = arith.constant 0 : index
    %swap3A_183 = vector.load %arg4[%swap3A_181, %swap3A_182] : memref<2048x16xf32, #tpu.memory_space<vmem>>, vector<2048x16xf32>
    tpu.vector_store %arg4[%swap3A_181, %swap3A_182], %broadcast_in_dim3A_180 {strides = array<i32>} : memref<2048x16xf32, #tpu.memory_space<vmem>>, vector<2048x16xf32>,
    %broadcast_in_dim3A_184 = vector.shape_cast %sub3A_24 : vector<2048x1xf32> to vector<2048x1xf32>
    %broadcast_in_dim3A_185 = vector.broadcast %broadcast_in_dim3A_184 : vector<2048x1xf32> to vector<2048x16xf32>
    %swap3A_186 = arith.constant 0 : index
    %swap3A_187 = arith.constant 0 : index
    %swap3A_188 = vector.load %arg5[%swap3A_186, %swap3A_187] : memref<2048x16xf32, #tpu.memory_space<vmem>>, vector<2048x16xf32>
    tpu.vector_store %arg5[%swap3A_186, %swap3A_187], %broadcast_in_dim3A_185 {strides = array<i32>} : memref<2048x16xf32, #tpu.memory_space<vmem>>, vector<2048x16xf32>,
    %add3A_189 = arith.addf %dot_general3A_160, %mul3A_153 : vector<1x8xf32>
    %iota3A_190 = tpu.iota {dimensions = array<i32: 0>} : vector<32x8xi32>
    %convert_element_type3A_191 = arith.sitofp %iota3A_190 : vector<32x8xi32> to vector<32x8xf32>
    %mul3A_192 = arith.constant 2.560000e+02 : f32
    %mul3A_193 = vector.broadcast %mul3A_192 : f32 to vector<32x8xf32>
    %mul3A_194 = arith.mulf %convert_element_type3A_191, %mul3A_193 : vector<32x8xf32>
    %le3A = vector.broadcast %add3A_189 : vector<1x8xf32> to vector<32x8xf32>
    %le3A_195 = arith.cmpf ole, %le3A, %mul3A_194 : vector<32x8xf32>
    %convert_element_type3A_196 = arith.extui %le3A_195 : vector<32x8xi1> to vector<32x8xi32>
    %reduce_sum3A_197 = arith.constant dense<0> : vector<32xi32>
    %reduce_sum3A_198 = vector.multi_reduction <add>, %convert_element_type3A_196, %reduce_sum3A_197 [1] : vector<32x8xi32> to vector<32xi32>
    %reduce_sum3A_199 = vector.shape_cast %mul3A_153 : vector<1x8xf32> to vector<1x1x8xf32>
    %reduce_sum3A_200 = arith.constant dense<0.000000e+00> : vector<1xf32>
    %reduce_sum3A_201 = vector.multi_reduction <add>, %reduce_sum3A_199, %reduce_sum3A_200 [1, 2] : vector<1x1x8xf32> to vector<1xf32>
    %reduce_sum3A_202 = vector.shape_cast %reduce_sum3A_201 : vector<1xf32> to vector<1x1x1xf32>
    %reduce_sum3A_203 = vector.extract %reduce_sum3A_202[0, 0, 0] : f32 from vector<1x1x1xf32>
    %div3A_204 = arith.constant 2.560000e+02 : f32
    %div3A_205 = arith.divf %reduce_sum3A_203, %div3A_204 : f32
    %convert_element_type3A_206 = arith.fptosi %div3A_205 : f32 to i32
    %iota3A_207 = tpu.iota {dimensions = array<i32: 1>} : vector<1x8xi32>
    %gt3A = arith.constant 0.000000e+00 : f32
    %gt3A_208 = vector.broadcast %gt3A : f32 to vector<1x8xf32>
    %gt3A_209 = arith.cmpf ogt, %mul3A_153, %gt3A_208 : vector<1x8xf32>
    %jit3A_210 = arith.constant 0 : i32
    %broadcast_in_dim3A_211 = vector.broadcast %jit3A_210 : i32 to vector<1x8xi32>
    %select_n3A_212 = arith.select %gt3A_209, %iota3A_207, %broadcast_in_dim3A_211 : vector<1x8xi1>, vector<1x8xi32>
    %reduce_max3A_213 = vector.shape_cast %select_n3A_212 : vector<1x8xi32> to vector<1x1x8xi32>
    %reduce_max3A_214 = arith.constant dense<-2147483648> : vector<1xi32>
    %reduce_max3A_215 = vector.multi_reduction <maxsi>, %reduce_max3A_213, %reduce_max3A_214 [1, 2] : vector<1x1x8xi32> to vector<1xi32>
    %reduce_max3A_216 = vector.shape_cast %reduce_max3A_215 : vector<1xi32> to vector<1x1x1xi32>
    %reduce_max3A_217 = vector.extract %reduce_max3A_216[0, 0, 0] : i32 from vector<1x1x1xi32>
    %iota3A_218 = tpu.iota {dimensions = array<i32: 1>} : vector<1x32xi32>
    %iota3A_219 = vector.shape_cast %iota3A_218 : vector<1x32xi32> to vector<32xi32>
    %eq3A_220 = arith.constant 23 : i32
    %eq3A_221 = vector.broadcast %eq3A_220 : i32 to vector<32xi32>
    %eq3A_222 = arith.cmpi eq, %iota3A_219, %eq3A_221 : vector<32xi32>
    %min3A = vector.broadcast %reduce_max3A_217 : i32 to vector<32xi32>
    %min3A_223 = arith.minsi %reduce_sum3A_198, %min3A : vector<32xi32>
    %broadcast_in_dim3A_224 = vector.broadcast %convert_element_type3A_206 : i32 to vector<32xi32>
    %select_n3A_225 = arith.select %eq3A_222, %broadcast_in_dim3A_224, %min3A_223 : vector<32xi1>, vector<32xi32>
    %swap3A_226 = arith.constant 0 : index
    %swap3A_227 = vector.load %arg6[%swap3A_226] : memref<32xi32, #tpu.memory_space<vmem>>, vector<32xi32>
    tpu.vector_store %arg6[%swap3A_226], %select_n3A_225 {strides = array<i32>} : memref<32xi32, #tpu.memory_space<vmem>>, vector<32xi32>,
    return
  }
}

</mosaic_0001>

<sc_bundles>
// kernel: kernel.10.cloned.1.call-start
scs
__scs_entry_jumppad:
0x0: {  	(pc) =	sbr.rel $0x88, $3  }
0x1: {  	(tag) =	ssettag $0x0;
	lr =	simm.s32 $0x1  }
0x2: {  	[smem:$0x3F9C] =	sst lr;
	_ =	strace $0xD0000000  }
0x3: {  	_ = 	snop  }
0x4: {  	_ = 	snop  }
0x5: {  	_ = 	snop  }
0x6: {  	_ = 	snop  }
0x7: {  	_ = 	snop  }
__scs_overlays_trampoline_lowered:
0x8: {  	[smem:$0x3FAB] =	sst s0  }
0x9: {  	[smem:$0x3FAC] =	sst s1  }
0xa: {  	[smem:$0x3FAD] =	sst s2  }
0xb: {  	[smem:$0x3FAE] =	sst s3  }
0xc: {  	[smem:$0x3FAF] =	sst s4  }
0xd: {  	[smem:$0x3FB0] =	sst s5  }
0xe: {  	[smem:$0x3FB1] =	sst s6  }
0xf: {  	[smem:$0x3FB2] =	sst s7  }
0x10: {  	[smem:$0x3FB3] =	sst s8  }
0x11: {  	[smem:$0x3FB4] =	sst s9;
	s0 =	simm.s32 @!p0 $0x0  }
0x12: {  	s1 =	sld [smem:$0x3F9A];
	s0 =	simm.s32 @p0 $0x1  }
0x13: {  	[smem:$0x3FB5] =	sst s0;
	s0 =	simm.s32 @!p1 $0x0  }
0x14: {  	s2 =	sld [smem:$0x3F99];
	s0 =	simm.s32 @p1 $0x1  }
0x15: {  	[smem:$0x3FB6] =	sst s0;
	s0 =	simm.s32 @!p2 $0x0  }
0x16: {  	s3 =	sld [smem:$0x3FDB];
	s0 =	simm.s32 @p2 $0x1  }
0x17: {  	s4 =	simm.s32 $0x1BF5;
	[smem:$0x3FB8] =	sst s0  }
0x18: {  	s0 =	sld [smem:$0x3F9B];
	_ =	swait.ge [sflag:s4], $0x0  }
0x19: {  	s7 =	sld [smem:$0x3F9C]  }
0x1a: {  	s8 =	sadd.s32 $0xFFFFE003, lr  }
0x1b: {  	s9 =	sadd.s32 $0xFFFFFEF7, lr;
	s5 =	simm.s32 $0xFFFFFFFF;
	p2 =	slt.u32 s8, $0xFFFFF086  }
0x1c: {  	p1 =	slt.u32 s9, $0xF7A;
	s5 =	simm.s32 @!p2 $0x0  }
0x1d: {  	s5 =	simm.s32 @p1 $0x1;
	p0 =	seq.s32 s7, s2  }
0x1e: {  	s7 =	smul.u32 @!p0 $0xF7A, s2;
	p2 =	seq.s32 @!p0 s5, $0x0  }
0x1f: {  	s9 =	smul.u32 $0xF7A, s1;
	s8 =	simm.s32 @!p0 $0x1BF5;
	p2 =	por !p2, p0  }
0x20: {  	[sflag:s8] =	ssyncset.s32 @!p0 $0xFFFFF086;
	s6 =	sadd.s32 @!p0 s3, s7;
	s7 =	simm.s32 @!p0 $0x108  }
0x21: {  	s3 =	sadd.s32 s3, s9;
	s6 =	sadd.s32 @!p0 $0x88, s6;
	s7 =	simm.s32 @p2 $0x1082  }
0x22: {  	[simem:s7], [sflag:s8] =	dma.local @!p0 [hbm:s6], $0xF7A  }
0x23: {  	s9 =	sor.u32 $0xD0000000, s2;
	s6 =	simm.s32 $0x108;
	_ =	swait.ge @!p0 [sflag:s8], $0x0  }
0x24: {  	s3 =	sadd.s32 $0x88, s3;
	s6 =	simm.s32 @!p1 $0x1082;
	[sflag:s4] =	ssyncset.s32 $0xFFFFF086  }
0x25: {  	[simem:s6], [sflag:s4] =	dma.local [hbm:s3], $0xF7A  }
0x26: {  	[smem:$0x3F9C] =	sst s1;
	(tag) =	ssettag s2;
	_ =	strace s9  }
0x27: {  	s1 =	sld [smem:$0x3FAC]  }
0x28: {  	s2 =	sld [smem:$0x3FAD]  }
0x29: {  	s4 =	sld [smem:$0x3FAF]  }
0x2a: {  	p0 =	seq.s32 s5, $0x0;
	s5 =	sld [smem:$0x3FB0]  }
0x2b: {  	s6 =	sld [smem:$0x3FB1]  }
0x2c: {  	s7 =	sld [smem:$0x3FB2]  }
0x2d: {  	s3 =	simm.s32 $0x108;
	s8 =	sld [smem:$0x3FB3]  }
0x2e: {  	s3 =	simm.s32 @!p0 $0x1082;
	s9 =	sld [smem:$0x3FB4]  }
0x2f: {  	lr =	sadd.s32 s0, s3;
	s0 =	sld [smem:$0x3FAB]  }
0x30: {  	s3 =	sld [smem:$0x3FAE]  }
0x31: {  	[smem:$0x3FB7] =	sst s10  }
0x32: {  	s10 =	sld [smem:$0x3FB5];
	_ =	sdelay $0x3  }
0x33: {  	p0 =	seq.s32 s10, $0x1;
	s10 =	sld [smem:$0x3FB7];
	_ =	sdelay $0x3  }
0x34: {  	[smem:$0x3FB7] =	sst s10  }
0x35: {  	s10 =	sld [smem:$0x3FB6];
	_ =	sdelay $0x3  }
0x36: {  	p1 =	seq.s32 s10, $0x1;
	s10 =	sld [smem:$0x3FB7];
	_ =	sdelay $0x3  }
0x37: {  	[smem:$0x3FB7] =	sst s10  }
0x38: {  	s10 =	sld [smem:$0x3FB8]  }
0x39: {  	_ = 	snop;
	(pc) =	sbr.ind lr, $3  }
0x3a: {  	_ = 	snop  }
0x3b: {  	_ = 	snop  }
0x3c: {  	p2 =	seq.s32 s10, $0x1;
	s10 =	sld [smem:$0x3FB7]  }
0x3d: {  	_ =	shalt  }
0x3e: {  	_ =	shalt  }
0x3f: {  	_ =	shalt  }
0x40: {  	_ =	shalt  }
0x41: {  	_ =	shalt  }
0x42: {  	_ =	shalt  }
0x43: {  	_ =	shalt  }
0x44: {  	_ =	shalt  }
0x45: {  	_ =	shalt  }
0x46: {  	_ =	shalt  }
0x47: {  	_ =	shalt  }
0x48: {  	_ =	shalt  }
0x49: {  	_ =	shalt  }
0x4a: {  	_ =	shalt  }
0x4b: {  	_ =	shalt  }
0x4c: {  	_ =	shalt  }
0x4d: {  	_ =	shalt  }
0x4e: {  	_ =	shalt  }
0x4f: {  	_ =	shalt  }
0x50: {  	_ =	shalt  }
0x51: {  	_ =	shalt  }
0x52: {  	_ =	shalt  }
0x53: {  	_ =	shalt  }
0x54: {  	_ =	shalt  }
0x55: {  	_ =	shalt  }
0x56: {  	_ =	shalt  }
0x57: {  	_ =	shalt  }
0x58: {  	_ =	shalt  }
0x59: {  	_ =	shalt  }
0x5a: {  	_ =	shalt  }
0x5b: {  	_ =	shalt  }
0x5c: {  	_ =	shalt  }
0x5d: {  	_ =	shalt  }
0x5e: {  	_ =	shalt  }
0x5f: {  	_ =	shalt  }
0x60: {  	_ =	shalt  }
0x61: {  	_ =	shalt  }
0x62: {  	_ =	shalt  }
0x63: {  	_ =	shalt  }
0x64: {  	_ =	shalt  }
0x65: {  	_ =	shalt  }
0x66: {  	_ =	shalt  }
0x67: {  	_ =	shalt  }
0x68: {  	_ =	shalt  }
0x69: {  	_ =	shalt  }
0x6a: {  	_ =	shalt  }
0x6b: {  	_ =	shalt  }
0x6c: {  	_ =	shalt  }
0x6d: {  	_ =	shalt  }
0x6e: {  	_ =	shalt  }
0x6f: {  	_ =	shalt  }
0x70: {  	_ =	shalt  }
0x71: {  	_ =	shalt  }
0x72: {  	_ =	shalt  }
0x73: {  	_ =	shalt  }
0x74: {  	_ =	shalt  }
0x75: {  	_ =	shalt  }
0x76: {  	_ =	shalt  }
0x77: {  	_ =	shalt  }
0x78: {  	_ =	shalt  }
0x79: {  	_ =	shalt  }
0x7a: {  	_ =	shalt  }
0x7b: {  	_ =	shalt  }
0x7c: {  	_ =	shalt  }
0x7d: {  	_ =	shalt  }
0x7e: {  	_ =	shalt  }
0x7f: {  	_ =	shalt  }
0x80: {  	_ =	shalt  }
0x81: {  	_ =	shalt  }
0x82: {  	_ =	shalt  }
0x83: {  	_ =	shalt  }
0x84: {  	_ =	shalt  }
0x85: {  	_ =	shalt  }
0x86: {  	_ =	shalt  }
0x87: {  	_ =	shalt  }
.Lfunc_end0:
.L_simem_size_0:
called_computation.1_lowered:
.L_overlay_start_0:
0x88: {  	s2 =	sld [smem:$0x3FD9]  }
0x89: {  	s3 =	sld [smem:$0x3FFE];
	_ =	sdelay $0x1  }
0x8a: {  	s1 =	srdreg.scid  }
0x8b: {  	s0 =	sand.u32 $0x1, s1  }
0x8c: {  	s17 =	sshll.u32 s0, $0xA;
	s2 =	sadd.s32 s3, s2  }
0x8d: {  	s2 =	sadd.s32 s2, s17  }
0x8e: {  	[smem:$0x3FC3] =	sst s2  }
0x8f: {  	_ = 	snop  }
0x90: {  	s2 =	sld [smem:$0x3FD0];
	(tm) =	ssettm $0x1  }
0x91: {  	s18 =	sld [smem:$0x3FFB];
	_ =	sdelay $0x3  }
0x92: {  	_ =	strace s18  }
0x93: {  	s3 =	sld [smem:$0x3FFC];
	_ =	sdelay $0x3  }
0x94: {  	_ =	strace s3  }
0x95: {  	s3 =	sld [smem:$0x3FFD];
	_ =	sdelay $0x3  }
0x96: {  	_ =	strace s3  }
0x97: {  	_ =	strace $0x8FFFFFFF  }
0x98: {  	s19 =	sld [smem:$0x3FDB];
	_ =	sdelay $0x1  }
0x99: {  	s4 =	simm.s32 $_scs_section_size  }
0x9a: {  	s5 =	simm.s32 $_size__tile_overlayer_lowered;
	s6 =	simm.s32 $_tile_overlayer_lowered  }
0x9b: {  	s22 =	simm.s32 $0x1BFF;
	s21 =	sshll.u32 s6, $0x1;
	s3 =	sadd.s32 s4, s19  }
0x9c: {  	s7 =	simm.s32 $0x0;
	s20 =	sshll.u32 s5, $0x1;
	s5 =	sadd.s32 s21, s3  }
0x9d: {  	[timem:s7], [sflag:s22] =	dma.local [hbm:s5], s20  }
0x9e: {  	_ =	swait.ge [sflag:s22], s20  }
0x9f: {  	s4 =	ssub.s32 $0x0, s20;
	[sflag:s22] =	ssyncset.done $0x0  }
0xa0: {  	[sflag:s22] =	ssyncadd.s32 s4;
	_ =	sdelay $0x1  }
0xa1: {  	s23 =	simm.s32 $0x1B8B  }
0xa2: {  	_ =	swait.ge [sflag:s23], $0x1  }
0xa3: {  	[sflag:s23] =	ssyncset.done $0x0  }
0xa4: {  	s25 =	simm.s32 $0x1B8E;
	s24 =	sld [smem:$0x3FFE];
	[sflag:s23] =	ssyncadd.s32 $0xFFFFFFFF  }
0xa5: {  	s26 =	simm.s32 $execute0_lowered;
	[smem:$0x3FD2] =	sst s25  }
0xa6: {  	s5 =	sshll.u32 s26, $0x1;
	_ =	strace $0x80000049;
	[dreg:$0x1] =	wrdreg $0xFFFFFFFF  }
0xa7: {  	s28 =	simm.s32 $_size_execute0_lowered;
	s3 =	sadd.s32 s3, s5;
	[dreg:$0x0] =	wrdreg $0x0  }
0xa8: {  	s5 =	sshll.u32 s28, $0x1;
	[dreg:$0x2] =	wrdreg s3  }
0xa9: {  	[dreg:$0x3] =	wrdreg s5  }
0xaa: {  	[dreg:$0x4] =	wrdreg $0xC0  }
0xab: {  	_ =	task [dreg:s7], $0x5FFFF  }
0xac: {  	[dreg:$0x1] =	wrdreg $0xFFFFFFFF  }
0xad: {  	[dreg:$0x0] =	wrdreg $0x60  }
0xae: {  	[dreg:$0x2] =	wrdreg s24  }
0xaf: {  	[dreg:$0x3] =	wrdreg s2  }
0xb0: {  	[dreg:$0x4] =	wrdreg $0x9  }
0xb1: {  	_ =	task.clear_ibuf [dreg:s7], $0x5FFFF;
	_ =	strace $0x90000049  }
0xb2: {  	s29 =	simm.s32 $0x9;
	_ =	strace $0x8000004B  }
0xb3: {  	_ =	swait.ge [sflag:s29], $0x1  }
0xb4: {  	[sflag:s29] =	ssyncadd.s32 $0xFFFFFFFF  }
0xb5: {  	_ =	strace $0x9000004B  }
0xb6: {  	_ =	sfence  }
0xb7: {  	s30 =	sld [smem:$0x0];
	_ =	sdelay $0x2  }
0xb8: {  	s31 =	sshll.u32 s1, $0xD;
	s1 =	sshrl.u32 s1, $0x2  }
0xb9: {  	s3 =	sand.u32 $0x4000, s31;
	s1 =	sadd.s32 s1, s30  }
0xba: {  	s0 =	sor.u32 s3, s0;
	s1 =	sshll.u32 s1, $0x11  }
0xbb: {  	s0 =	sor.u32 s1, s0  }
0xbc: {  	s0 =	sadd.s32 $0x8F2B, s0  }
0xbd: {  	[sflag:s0] =	ssyncadd.remote.s32 $0x1  }
0xbe: {  	_ =	sfence.sel $0xFFFF  }
0xbf: {  	[dreg:$0x0] =	wrdreg $0xFFFFFFFF;
	(pc) =	sbr.abs _section_cstart, $3  }
0xc0: {  	[dreg:$0x1] =	wrdreg $0xFFFFFFFF  }
0xc1: {  	_ =	task.clear_ibuf [dreg:s7], $0x2FFFF;
	_ =	strace $0x9FFFFFFF  }
0xc2: {  	(tm) =	ssettm $0x7FFFFFFF  }
0xc3: {  	_ =	shalt  }
tec
execute0_lowered:
.L_overlay_start_1:
0x0: {  	(tag) =	ssettag $0x1  }
0x1: {  	s1 =	srdreg.scid;
	s4 =	rddreg [dreg:$0x0]  }
0x2: {  	s0 =	stileid.u32;
	s5 =	rddreg [dreg:$0x1]  }
0x3: {  	s14 =	simm.s32 $0x80;
	s15 =	simm.s32 $0x900;
	s1 =	sand.u32 $0x1, s1  }
0x4: {  	s16 =	simm.s32 $0x1100;
	s2 =	sshll.u32 s0, $0x7;
	s3 =	sshll.u32 s1, $0x6  }
0x5: {  	s17 =	simm.s32 $0x1900;
	s3 =	sor.u32 s3, s2;
	s2 =	simm.s32 $0x0  }
0x6: {  	s18 =	simm.s32 $0x2100;
	s20 =	simm.s32 $0x2900;
	[smem:$0x7FF] =	sst s2  }
0x7: {  	s21 =	simm.s32 $0x3100;
	_ =	strace $0x8000004A;
	[dreg:$0x9] =	wrdreg s14  }
0x8: {  	s22 =	simm.s32 $0x3900;
	s23 =	simm.s32 $0x8900;
	[dreg:$0xa] =	wrdreg s15  }
0x9: {  	s24 =	simm.s32 $0x9100;
	s25 =	simm.s32 $0x9900;
	[dreg:$0xb] =	wrdreg s16  }
0xa: {  	s8 =	simm.s32 $0x100;
	s26 =	simm.s32 $0xA100;
	[dreg:$0xc] =	wrdreg s17  }
0xb: {  	s9 =	simm.s32 $0x8100;
	s28 =	simm.s32 $0xF100;
	[dreg:$0xd] =	wrdreg s18  }
0xc: {  	s29 =	simm.s32 $0xF900;
	s30 =	simm.s32 $0x5;
	[dreg:$0xe] =	wrdreg s20  }
0xd: {  	s31 =	simm.s32 $0x2;
	s1 =	ssub.s32 $0x2, s1;
	[dreg:$0xf] =	wrdreg s21  }
0xe: {  	s11 =	sadd.s32 $0x5E000, s4;
	s19 =	sshrl.u32 s1, $0x1;
	[dreg:$0x10] =	wrdreg s22  }
0xf: {  	s6 =	sshrl.u32 s3, $0x3;
	s3 =	sshll.u32 s3, $0x6;
	[dreg:$0x11] =	wrdreg s23  }
0x10: {  	s1 =	ssub.s32 s1, s19;
	s19 =	simm.s32 $0x7100;
	[dreg:$0x12] =	wrdreg s24  }
0x11: {  	s6 =	sadd.s32 s6, s4;
	s12 =	sadd.s32 s5, s3;
	[dreg:$0x13] =	wrdreg s25  }
0x12: {  	s13 =	sadd.s32 s11, s3;
	s3 =	sor.u32 $0x800, s3;
	[dreg:$0x14] =	wrdreg s26  }
0x13: {  	s14 =	simm.s32 $0x4900;
	s15 =	simm.s32 $0x5100;
	s16 =	simm.s32 $0x5900  }
0x14: {  	s17 =	simm.s32 $0x6100;
	s18 =	simm.s32 $0x6900;
	s20 =	simm.s32 $0x7900  }
0x15: {  	s21 =	simm.s32 $0xC100;
	s22 =	simm.s32 $0xC900;
	[dreg:$0x5] =	wrdreg s12  }
0x16: {  	s23 =	simm.s32 $0xD100;
	s7 =	sadd.s32 $0x1C00, s6;
	[dreg:$0x6] =	wrdreg s13  }
0x17: {  	s24 =	simm.s32 $0xD900;
	s6 =	sadd.s32 $0x1E00, s6;
	[dreg:$0x3] =	wrdreg s7  }
0x18: {  	s25 =	simm.s32 $0xE100;
	s5 =	sadd.s32 s5, s3;
	[dreg:$0x4] =	wrdreg s6  }
0x19: {  	s26 =	simm.s32 $0xE900;
	s3 =	sadd.s32 s11, s3;
	[dreg:$0x7] =	wrdreg s5  }
0x1a: {  	v2 =	vlaneseq.u32;
	s12 =	simm.s32 $0xB900;
	s13 =	simm.s32 $0x4100;
	[dreg:$0x8] =	wrdreg s3  }
0x1b: {  	vm0 =	vmmov $0xffff;
	v1 =	vshrl.u32 v2, $0x3;
	s3 =	sadd.s32 $0x2000, s4;
	s4 =	sadd.s32 $0x2100, s4;
	s5 =	smax.u32 s1, $0x1  }
0x1c: {  	v0 =	vand.u32 $0x7, v2;
	v2 =	vor.u32 $0x8, v2;
	v1 =	vmul.u32 $0x8, v1;
	s6 =	simm.s32 $0x1;
	s7 =	simm.s32 $0x3;
	s1 =	simm.s32 $0x4  }
.LBB2_1:
0x1d: {  	s0 =	rddreg [dreg:$0x3]  }
0x1e: {  	s10 =	rddreg [dreg:$0x4]  }
0x1f: {  	[tilespmem:s2], [sflag:$0x1] =	stream.linear.gather [hbm4b:s0+s2], $0x40, $0x38;
	[tilespmem:$0x10100] =	vst v63  }
0x20: {  	s11 =	rddreg [dreg:$0x9]  }
0x21: {  	[tilespmem:s11], [sflag:$0x3] =	stream.linear.gather [hbm4b:s10+s2], $0x40, $0x38;
	[tilespmem:$0x10100] =	vst v63  }
0x22: {  	_ =	swait.ge [sflag:s6], $0x40  }
0x23: {  	[sflag:s6] =	ssyncset.done $0x0  }
0x24: {  	[sflag:s6] =	ssyncadd.s32 $0xFFFFFFC0  }
0x25: {  	_ =	swait.ge [sflag:s7], $0x40  }
0x26: {  	[sflag:s7] =	ssyncset.done $0x0  }
0x27: {  	[sflag:s7] =	ssyncadd.s32 $0xFFFFFFC0  }
0x28: {  	v3 =	vld [tilespmem:$0x0];
	_ =	sdelay $0x4  }
0x29: {  	v4 =	vshll.u32 v3, $0x2  }
0x2a: {  	v3 =	vand.u32 $0x7, v3;
	v4 =	vand.u32 $0xFFFFFFE0, v4  }
0x2b: {  	v3 =	vor.u32 v3, v4  }
0x2c: {  	v4 =	vperm.xlane v3, v0;
	_ =	sdelay $0x1  }
0x2d: {  	v4 =	vadd.s32 v1, v4;
	_ =	sdelay $0x1  }
0x2e: {  	v3 =	vperm.xlane v3, v2;
	_ =	sdelay $0x1  }
0x2f: {  	v3 =	vadd.s32 v1, v3  }
0x30: {  	[tilespmem:s8], [sflag:$0x1] =	stream.indirect_vreg.gather [hbm4b:s3+s2], $0x80, v4, vm0, $0xb8;
	[tilespmem:$0x10100] =	vst v63  }
0x31: {  	s11 =	rddreg [dreg:$0xa]  }
0x32: {  	[tilespmem:s11], [sflag:$0x1] =	stream.indirect_vreg.gather [hbm4b:s4+s2], $0x80, v4, vm0, $0xb8;
	[tilespmem:$0x10100] =	vst v63  }
0x33: {  	s10 =	rddreg [dreg:$0xb]  }
0x34: {  	[tilespmem:s10], [sflag:$0x1] =	stream.indirect_vreg.gather [hbm4b:s3+s2], $0x80, v3, vm0, $0xb8;
	[tilespmem:$0x10100] =	vst v63  }
0x35: {  	s11 =	rddreg [dreg:$0xc]  }
0x36: {  	[tilespmem:s11], [sflag:$0x1] =	stream.indirect_vreg.gather [hbm4b:s4+s2], $0x80, v3, vm0, $0xb8;
	[tilespmem:$0x10100] =	vst v63  }
0x37: {  	v3 =	vld [tilespmem:$0x10];
	_ =	sdelay $0x4  }
0x38: {  	v57 =	vshll.u32 v3, $0x2  }
0x39: {  	v3 =	vand.u32 $0x7, v3;
	v4 =	vand.u32 $0xFFFFFFE0, v57  }
0x3a: {  	v3 =	vor.u32 v3, v4  }
0x3b: {  	v4 =	vperm.xlane v3, v0;
	_ =	sdelay $0x1  }
0x3c: {  	v4 =	vadd.s32 v1, v4;
	_ =	sdelay $0x1  }
0x3d: {  	v3 =	vperm.xlane v3, v2;
	_ =	sdelay $0x1  }
0x3e: {  	s10 =	rddreg [dreg:$0xd];
	v3 =	vadd.s32 v1, v3  }
0x3f: {  	[tilespmem:s10], [sflag:$0x1] =	stream.indirect_vreg.gather [hbm4b:s3+s2], $0x80, v4, vm0, $0xb8;
	[tilespmem:$0x10100] =	vst v63  }
0x40: {  	s11 =	rddreg [dreg:$0xe]  }
0x41: {  	[tilespmem:s11], [sflag:$0x1] =	stream.indirect_vreg.gather [hbm4b:s4+s2], $0x80, v4, vm0, $0xb8;
	[tilespmem:$0x10100] =	vst v63  }
0x42: {  	s0 =	rddreg [dreg:$0xf]  }
0x43: {  	[tilespmem:s0], [sflag:$0x1] =	stream.indirect_vreg.gather [hbm4b:s3+s2], $0x80, v3, vm0, $0xb8;
	[tilespmem:$0x10100] =	vst v63  }
0x44: {  	s11 =	rddreg [dreg:$0x10]  }
0x45: {  	[tilespmem:s11], [sflag:$0x1] =	stream.indirect_vreg.gather [hbm4b:s4+s2], $0x80, v3, vm0, $0xb8;
	[tilespmem:$0x10100] =	vst v63  }
0x46: {  	v3 =	vld [tilespmem:$0x80];
	_ =	sdelay $0x4  }
0x47: {  	v58 =	vshll.u32 v3, $0x2  }
0x48: {  	v3 =	vand.u32 $0x7, v3;
	v4 =	vand.u32 $0xFFFFFFE0, v58  }
0x49: {  	v3 =	vor.u32 v3, v4  }
0x4a: {  	v4 =	vperm.xlane v3, v0;
	_ =	sdelay $0x1  }
0x4b: {  	v4 =	vadd.s32 v1, v4;
	_ =	sdelay $0x1  }
0x4c: {  	v3 =	vperm.xlane v3, v2;
	_ =	sdelay $0x1  }
0x4d: {  	v3 =	vadd.s32 v1, v3  }
0x4e: {  	[tilespmem:s9], [sflag:$0x3] =	stream.indirect_vreg.gather [hbm4b:s3+s2], $0x80, v4, vm0, $0xb8;
	[tilespmem:$0x10100] =	vst v63  }
0x4f: {  	s11 =	rddreg [dreg:$0x11]  }
0x50: {  	[tilespmem:s11], [sflag:$0x3] =	stream.indirect_vreg.gather [hbm4b:s4+s2], $0x80, v4, vm0, $0xb8;
	[tilespmem:$0x10100] =	vst v63  }
0x51: {  	s10 =	rddreg [dreg:$0x12]  }
0x52: {  	[tilespmem:s10], [sflag:$0x3] =	stream.indirect_vreg.gather [hbm4b:s3+s2], $0x80, v3, vm0, $0xb8;
	[tilespmem:$0x10100] =	vst v63  }
0x53: {  	s11 =	rddreg [dreg:$0x13]  }
0x54: {  	[tilespmem:s11], [sflag:$0x3] =	stream.indirect_vreg.gather [hbm4b:s4+s2], $0x80, v3, vm0, $0xb8;
	[tilespmem:$0x10100] =	vst v63  }
0x55: {  	v3 =	vld [tilespmem:$0x90];
	_ =	sdelay $0x4  }
0x56: {  	v59 =	vshll.u32 v3, $0x2  }
0x57: {  	v3 =	vand.u32 $0x7, v3;
	v4 =	vand.u32 $0xFFFFFFE0, v59  }
0x58: {  	v3 =	vor.u32 v3, v4  }
0x59: {  	v4 =	vperm.xlane v3, v0;
	_ =	sdelay $0x1  }
0x5a: {  	v4 =	vadd.s32 v1, v4;
	_ =	sdelay $0x1  }
0x5b: {  	v3 =	vperm.xlane v3, v2;
	_ =	sdelay $0x1  }
0x5c: {  	s11 =	rddreg [dreg:$0x14];
	v3 =	vadd.s32 v1, v3  }
0x5d: {  	[tilespmem:s11], [sflag:$0x3] =	stream.indirect_vreg.gather [hbm4b:s3+s2], $0x80, v4, vm0, $0xb8;
	[tilespmem:$0x10100] =	vst v63  }
0x5e: {  	s10 =	simm.s32 $0xA900  }
0x5f: {  	[tilespmem:s10], [sflag:$0x3] =	stream.indirect_vreg.gather [hbm4b:s4+s2], $0x80, v4, vm0, $0xb8;
	[tilespmem:$0x10100] =	vst v63  }
0x60: {  	s11 =	simm.s32 $0xB100  }
0x61: {  	[tilespmem:s11], [sflag:$0x3] =	stream.indirect_vreg.gather [hbm4b:s3+s2], $0x80, v3, vm0, $0xb8;
	[tilespmem:$0x10100] =	vst v63  }
0x62: {  	_ = 	snop  }
0x63: {  	[tilespmem:s12], [sflag:$0x3] =	stream.indirect_vreg.gather [hbm4b:s4+s2], $0x80, v3, vm0, $0xb8;
	[tilespmem:$0x10100] =	vst v63  }
0x64: {  	v3 =	vld [tilespmem:$0x20];
	_ =	sdelay $0x4  }
0x65: {  	v60 =	vshll.u32 v3, $0x2  }
0x66: {  	v3 =	vand.u32 $0x7, v3;
	v4 =	vand.u32 $0xFFFFFFE0, v60  }
0x67: {  	v3 =	vor.u32 v3, v4  }
0x68: {  	v4 =	vperm.xlane v3, v0;
	_ =	sdelay $0x1  }
0x69: {  	v4 =	vadd.s32 v1, v4;
	_ =	sdelay $0x1  }
0x6a: {  	v3 =	vperm.xlane v3, v2;
	_ =	sdelay $0x1  }
0x6b: {  	v3 =	vadd.s32 v1, v3  }
0x6c: {  	[tilespmem:s13], [sflag:$0x2] =	stream.indirect_vreg.gather [hbm4b:s3+s2], $0x80, v4, vm0, $0xb8;
	[tilespmem:$0x10100] =	vst v63  }
0x6d: {  	_ = 	snop  }
0x6e: {  	[tilespmem:s14], [sflag:$0x2] =	stream.indirect_vreg.gather [hbm4b:s4+s2], $0x80, v4, vm0, $0xb8;
	[tilespmem:$0x10100] =	vst v63  }
0x6f: {  	_ = 	snop  }
0x70: {  	[tilespmem:s15], [sflag:$0x2] =	stream.indirect_vreg.gather [hbm4b:s3+s2], $0x80, v3, vm0, $0xb8;
	[tilespmem:$0x10100] =	vst v63  }
0x71: {  	_ = 	snop  }
0x72: {  	[tilespmem:s16], [sflag:$0x2] =	stream.indirect_vreg.gather [hbm4b:s4+s2], $0x80, v3, vm0, $0xb8;
	[tilespmem:$0x10100] =	vst v63  }
0x73: {  	v3 =	vld [tilespmem:$0x30];
	_ =	sdelay $0x4  }
0x74: {  	v61 =	vshll.u32 v3, $0x2  }
0x75: {  	v3 =	vand.u32 $0x7, v3;
	v4 =	vand.u32 $0xFFFFFFE0, v61  }
0x76: {  	v3 =	vor.u32 v3, v4  }
0x77: {  	v4 =	vperm.xlane v3, v0;
	_ =	sdelay $0x1  }
0x78: {  	v4 =	vadd.s32 v1, v4;
	_ =	sdelay $0x1  }
0x79: {  	v3 =	vperm.xlane v3, v2;
	_ =	sdelay $0x1  }
0x7a: {  	v3 =	vadd.s32 v1, v3  }
0x7b: {  	[tilespmem:s17], [sflag:$0x2] =	stream.indirect_vreg.gather [hbm4b:s3+s2], $0x80, v4, vm0, $0xb8;
	[tilespmem:$0x10100] =	vst v63  }
0x7c: {  	_ = 	snop  }
0x7d: {  	[tilespmem:s18], [sflag:$0x2] =	stream.indirect_vreg.gather [hbm4b:s4+s2], $0x80, v4, vm0, $0xb8;
	[tilespmem:$0x10100] =	vst v63  }
0x7e: {  	_ = 	snop  }
0x7f: {  	[tilespmem:s19], [sflag:$0x2] =	stream.indirect_vreg.gather [hbm4b:s3+s2], $0x80, v3, vm0, $0xb8;
	[tilespmem:$0x10100] =	vst v63  }
0x80: {  	_ = 	snop  }
0x81: {  	[tilespmem:s20], [sflag:$0x2] =	stream.indirect_vreg.gather [hbm4b:s4+s2], $0x80, v3, vm0, $0xb8;
	[tilespmem:$0x10100] =	vst v63  }
0x82: {  	v3 =	vld [tilespmem:$0xA0];
	_ =	sdelay $0x4  }
0x83: {  	v62 =	vshll.u32 v3, $0x2  }
0x84: {  	v3 =	vand.u32 $0x7, v3;
	v4 =	vand.u32 $0xFFFFFFE0, v62  }
0x85: {  	v3 =	vor.u32 v3, v4  }
0x86: {  	v4 =	vperm.xlane v3, v0;
	_ =	sdelay $0x1  }
0x87: {  	v4 =	vadd.s32 v1, v4;
	_ =	sdelay $0x1  }
0x88: {  	v3 =	vperm.xlane v3, v2;
	_ =	sdelay $0x1  }
0x89: {  	v3 =	vadd.s32 v1, v3  }
0x8a: {  	[tilespmem:s21], [sflag:$0x4] =	stream.indirect_vreg.gather [hbm4b:s3+s2], $0x80, v4, vm0, $0xb8;
	[tilespmem:$0x10100] =	vst v63  }
0x8b: {  	_ = 	snop  }
0x8c: {  	[tilespmem:s22], [sflag:$0x4] =	stream.indirect_vreg.gather [hbm4b:s4+s2], $0x80, v4, vm0, $0xb8;
	[tilespmem:$0x10100] =	vst v63  }
0x8d: {  	_ = 	snop  }
0x8e: {  	[tilespmem:s23], [sflag:$0x4] =	stream.indirect_vreg.gather [hbm4b:s3+s2], $0x80, v3, vm0, $0xb8;
	[tilespmem:$0x10100] =	vst v63  }
0x8f: {  	_ = 	snop  }
0x90: {  	[tilespmem:s24], [sflag:$0x4] =	stream.indirect_vreg.gather [hbm4b:s4+s2], $0x80, v3, vm0, $0xb8;
	[tilespmem:$0x10100] =	vst v63  }
0x91: {  	v3 =	vld [tilespmem:$0xB0];
	_ =	sdelay $0x4  }
0x92: {  	v63 =	vshll.u32 v3, $0x2  }
0x93: {  	v3 =	vand.u32 $0x7, v3;
	v4 =	vand.u32 $0xFFFFFFE0, v63  }
0x94: {  	v3 =	vor.u32 v3, v4  }
0x95: {  	v4 =	vperm.xlane v3, v0;
	_ =	sdelay $0x1  }
0x96: {  	v4 =	vadd.s32 v1, v4;
	_ =	sdelay $0x1  }
0x97: {  	v3 =	vperm.xlane v3, v2;
	_ =	sdelay $0x1  }
0x98: {  	v3 =	vadd.s32 v1, v3  }
0x99: {  	[tilespmem:s25], [sflag:$0x4] =	stream.indirect_vreg.gather [hbm4b:s3+s2], $0x80, v4, vm0, $0xb8;
	[tilespmem:$0x10100] =	vst v63  }
0x9a: {  	_ = 	snop  }
0x9b: {  	[tilespmem:s26], [sflag:$0x4] =	stream.indirect_vreg.gather [hbm4b:s4+s2], $0x80, v4, vm0, $0xb8;
	[tilespmem:$0x10100] =	vst v63  }
0x9c: {  	_ = 	snop  }
0x9d: {  	[tilespmem:s28], [sflag:$0x4] =	stream.indirect_vreg.gather [hbm4b:s3+s2], $0x80, v3, vm0, $0xb8;
	[tilespmem:$0x10100] =	vst v63  }
0x9e: {  	_ = 	snop  }
0x9f: {  	[tilespmem:s29], [sflag:$0x4] =	stream.indirect_vreg.gather [hbm4b:s4+s2], $0x80, v3, vm0, $0xb8;
	[tilespmem:$0x10100] =	vst v63  }
0xa0: {  	_ =	swait.ge [sflag:s6], $0x4000  }
0xa1: {  	[sflag:s6] =	ssyncset.done $0x0  }
0xa2: {  	s10 =	rddreg [dreg:$0x5];
	[sflag:s6] =	ssyncadd.s32 $0xFFFFC000  }
0xa3: {  	[hbm4b:s10+s2] =	stream.linear.scatter [tilespmem:s8], [sflag:$0x5], $0x4000, $0x38;
	[tilespmem:$0x10100] =	vst v63  }
0xa4: {  	_ =	swait.ge [sflag:s30], $0x4000  }
0xa5: {  	[sflag:s30] =	ssyncset.done $0x0  }
0xa6: {  	[sflag:s30] =	ssyncadd.s32 $0xFFFFC000  }
0xa7: {  	_ =	swait.ge [sflag:s7], $0x4000  }
0xa8: {  	[sflag:s7] =	ssyncset.done $0x0  }
0xa9: {  	s11 =	rddreg [dreg:$0x6];
	[sflag:s7] =	ssyncadd.s32 $0xFFFFC000  }
0xaa: {  	[hbm4b:s11+s2] =	stream.linear.scatter [tilespmem:s9], [sflag:$0x5], $0x4000, $0x38;
	[tilespmem:$0x10100] =	vst v63  }
0xab: {  	_ =	swait.ge [sflag:s30], $0x4000  }
0xac: {  	[sflag:s30] =	ssyncset.done $0x0  }
0xad: {  	[sflag:s30] =	ssyncadd.s32 $0xFFFFC000  }
0xae: {  	_ =	swait.ge [sflag:s31], $0x4000  }
0xaf: {  	[sflag:s31] =	ssyncset.done $0x0  }
0xb0: {  	s10 =	rddreg [dreg:$0x7];
	[sflag:s31] =	ssyncadd.s32 $0xFFFFC000  }
0xb1: {  	[hbm4b:s10+s2] =	stream.linear.scatter [tilespmem:s13], [sflag:$0x5], $0x4000, $0x38;
	[tilespmem:$0x10100] =	vst v63  }
0xb2: {  	_ =	swait.ge [sflag:s30], $0x4000  }
0xb3: {  	[sflag:s30] =	ssyncset.done $0x0  }
0xb4: {  	[sflag:s30] =	ssyncadd.s32 $0xFFFFC000  }
0xb5: {  	_ =	swait.ge [sflag:s1], $0x4000  }
0xb6: {  	p0 =	sne.s32 s5, $0x1;
	[sflag:s1] =	ssyncset.done $0x0  }
.Ltmp0:
0xb7: {  	s11 =	rddreg [dreg:$0x8];
	[sflag:s1] =	ssyncadd.s32 $0xFFFFC000;
	(pc) =	sbr.rel @p0 .LBB2_1-.Ltmp0, $4  }
0xb8: {  	[hbm4b:s11+s2] =	stream.linear.scatter [tilespmem:s21], [sflag:$0x5], $0x4000, $0x38;
	[tilespmem:$0x10100] =	vst v63  }
0xb9: {  	_ =	swait.ge [sflag:s30], $0x4000  }
0xba: {  	[sflag:s30] =	ssyncset.done $0x0  }
0xbb: {  	s5 =	sadd.s32 $0xFFFFFFFF, s5;
	[sflag:s30] =	ssyncadd.s32 $0xFFFFC000  }
0xbc: {  	_ =	sfence.sel $0x180000  }
0xbd: {  	[bflag:$0x0] =	sbarrier.arrive $0xFFFF  }
0xbe: {  	_ =	strace $0x9000004A  }
0xbf: {  	s0 =	stileid.u32;
	[bflag:$0x2] =	sbarrier.arrive $0xFFFF  }
0xc0: {  	p0 =	sne.s32 s0, $0x0;
	s0 =	rddreg [dreg:$0x2]  }
0xc1: {  	s0 =	sadd.s32 @!p0 $0x100000, s0  }
0xc2: {  	[sflag:s0] =	ssyncadd.tile.s32 @!p0 $0x1;
	_ =	shalt  }
.Lfunc_end2:
_tile_overlayer_lowered:
.L_overlay_start_2:
0xc3: {  	(tag) =	ssettag $0x2  }
0xc4: {  	s0 =	rddreg [dreg:$0x0];
	s2 =	stileid.u32  }
0xc5: {  	s1 =	rddreg [dreg:$0x1];
	p0 =	sne.s32 s2, $0x0  }
0xc6: {  	s3 =	rddreg [dreg:$0x2];
	[bflag:$0x3] =	sbarrier.arrive $0xFFFF;
	s2 =	simm.s32 @!p0 $0x1C05  }
0xc7: {  	[timem:s3], [sflag:s2] =	dma.local @!p0 [hbm:s0], s1  }
0xc8: {  	s0 =	simm.s32 @!p0 $0x5  }
0xc9: {  	_ =	swait.ge @!p0 [sflag:s0], s1  }
0xca: {  	s1 =	ssub.s32 @!p0 $0x0, s1;
	[sflag:s0] =	ssyncset.done @!p0 $0x0  }
0xcb: {  	[sflag:s0] =	ssyncadd.s32 @!p0 s1  }
0xcc: {  	[bflag:$0x3] =	sbarrier.arrive $0xFFFF  }
0xcd: {  	_ =	shalt  }

// kernel: kernel.7.cloned.1.call-start
scs
__scs_entry_jumppad:
0x0: {  	(pc) =	sbr.rel $0x88, $3  }
0x1: {  	(tag) =	ssettag $0x0;
	lr =	simm.s32 $0x1  }
0x2: {  	[smem:$0x3F9C] =	sst lr;
	_ =	strace $0xD0000000  }
0x3: {  	_ = 	snop  }
0x4: {  	_ = 	snop  }
0x5: {  	_ = 	snop  }
0x6: {  	_ = 	snop  }
0x7: {  	_ = 	snop  }
__scs_overlays_trampoline_lowered:
0x8: {  	[smem:$0x3FAB] =	sst s0  }
0x9: {  	[smem:$0x3FAC] =	sst s1  }
0xa: {  	[smem:$0x3FAD] =	sst s2  }
0xb: {  	[smem:$0x3FAE] =	sst s3  }
0xc: {  	[smem:$0x3FAF] =	sst s4  }
0xd: {  	[smem:$0x3FB0] =	sst s5  }
0xe: {  	[smem:$0x3FB1] =	sst s6  }
0xf: {  	[smem:$0x3FB2] =	sst s7  }
0x10: {  	[smem:$0x3FB3] =	sst s8  }
0x11: {  	[smem:$0x3FB4] =	sst s9;
	s0 =	simm.s32 @!p0 $0x0  }
0x12: {  	s1 =	sld [smem:$0x3F9A];
	s0 =	simm.s32 @p0 $0x1  }
0x13: {  	[smem:$0x3FB5] =	sst s0;
	s0 =	simm.s32 @!p1 $0x0  }
0x14: {  	s2 =	sld [smem:$0x3F99];
	s0 =	simm.s32 @p1 $0x1  }
0x15: {  	[smem:$0x3FB6] =	sst s0;
	s0 =	simm.s32 @!p2 $0x0  }
0x16: {  	s3 =	sld [smem:$0x3FDB];
	s0 =	simm.s32 @p2 $0x1  }
0x17: {  	s4 =	simm.s32 $0x1BF5;
	[smem:$0x3FB8] =	sst s0  }
0x18: {  	s0 =	sld [smem:$0x3F9B];
	_ =	swait.ge [sflag:s4], $0x0  }
0x19: {  	s7 =	sld [smem:$0x3F9C]  }
0x1a: {  	s8 =	sadd.s32 $0xFFFFE003, lr  }
0x1b: {  	s9 =	sadd.s32 $0xFFFFFEF7, lr;
	s5 =	simm.s32 $0xFFFFFFFF;
	p2 =	slt.u32 s8, $0xFFFFF086  }
0x1c: {  	p1 =	slt.u32 s9, $0xF7A;
	s5 =	simm.s32 @!p2 $0x0  }
0x1d: {  	s5 =	simm.s32 @p1 $0x1;
	p0 =	seq.s32 s7, s2  }
0x1e: {  	s7 =	smul.u32 @!p0 $0xF7A, s2;
	p2 =	seq.s32 @!p0 s5, $0x0  }
0x1f: {  	s9 =	smul.u32 $0xF7A, s1;
	s8 =	simm.s32 @!p0 $0x1BF5;
	p2 =	por !p2, p0  }
0x20: {  	[sflag:s8] =	ssyncset.s32 @!p0 $0xFFFFF086;
	s6 =	sadd.s32 @!p0 s3, s7;
	s7 =	simm.s32 @!p0 $0x108  }
0x21: {  	s3 =	sadd.s32 s3, s9;
	s6 =	sadd.s32 @!p0 $0x88, s6;
	s7 =	simm.s32 @p2 $0x1082  }
0x22: {  	[simem:s7], [sflag:s8] =	dma.local @!p0 [hbm:s6], $0xF7A  }
0x23: {  	s9 =	sor.u32 $0xD0000000, s2;
	s6 =	simm.s32 $0x108;
	_ =	swait.ge @!p0 [sflag:s8], $0x0  }
0x24: {  	s3 =	sadd.s32 $0x88, s3;
	s6 =	simm.s32 @!p1 $0x1082;
	[sflag:s4] =	ssyncset.s32 $0xFFFFF086  }
0x25: {  	[simem:s6], [sflag:s4] =	dma.local [hbm:s3], $0xF7A  }
0x26: {  	[smem:$0x3F9C] =	sst s1;
	(tag) =	ssettag s2;
	_ =	strace s9  }
0x27: {  	s1 =	sld [smem:$0x3FAC]  }
0x28: {  	s2 =	sld [smem:$0x3FAD]  }
0x29: {  	s4 =	sld [smem:$0x3FAF]  }
0x2a: {  	p0 =	seq.s32 s5, $0x0;
	s5 =	sld [smem:$0x3FB0]  }
0x2b: {  	s6 =	sld [smem:$0x3FB1]  }
0x2c: {  	s7 =	sld [smem:$0x3FB2]  }
0x2d: {  	s3 =	simm.s32 $0x108;
	s8 =	sld [smem:$0x3FB3]  }
0x2e: {  	s3 =	simm.s32 @!p0 $0x1082;
	s9 =	sld [smem:$0x3FB4]  }
0x2f: {  	lr =	sadd.s32 s0, s3;
	s0 =	sld [smem:$0x3FAB]  }
0x30: {  	s3 =	sld [smem:$0x3FAE]  }
0x31: {  	[smem:$0x3FB7] =	sst s10  }
0x32: {  	s10 =	sld [smem:$0x3FB5];
	_ =	sdelay $0x3  }
0x33: {  	p0 =	seq.s32 s10, $0x1;
	s10 =	sld [smem:$0x3FB7];
	_ =	sdelay $0x3  }
0x34: {  	[smem:$0x3FB7] =	sst s10  }
0x35: {  	s10 =	sld [smem:$0x3FB6];
	_ =	sdelay $0x3  }
0x36: {  	p1 =	seq.s32 s10, $0x1;
	s10 =	sld [smem:$0x3FB7];
	_ =	sdelay $0x3  }
0x37: {  	[smem:$0x3FB7] =	sst s10  }
0x38: {  	s10 =	sld [smem:$0x3FB8]  }
0x39: {  	_ = 	snop;
	(pc) =	sbr.ind lr, $3  }
0x3a: {  	_ = 	snop  }
0x3b: {  	_ = 	snop  }
0x3c: {  	p2 =	seq.s32 s10, $0x1;
	s10 =	sld [smem:$0x3FB7]  }
0x3d: {  	_ =	shalt  }
0x3e: {  	_ =	shalt  }
0x3f: {  	_ =	shalt  }
0x40: {  	_ =	shalt  }
0x41: {  	_ =	shalt  }
0x42: {  	_ =	shalt  }
0x43: {  	_ =	shalt  }
0x44: {  	_ =	shalt  }
0x45: {  	_ =	shalt  }
0x46: {  	_ =	shalt  }
0x47: {  	_ =	shalt  }
0x48: {  	_ =	shalt  }
0x49: {  	_ =	shalt  }
0x4a: {  	_ =	shalt  }
0x4b: {  	_ =	shalt  }
0x4c: {  	_ =	shalt  }
0x4d: {  	_ =	shalt  }
0x4e: {  	_ =	shalt  }
0x4f: {  	_ =	shalt  }
0x50: {  	_ =	shalt  }
0x51: {  	_ =	shalt  }
0x52: {  	_ =	shalt  }
0x53: {  	_ =	shalt  }
0x54: {  	_ =	shalt  }
0x55: {  	_ =	shalt  }
0x56: {  	_ =	shalt  }
0x57: {  	_ =	shalt  }
0x58: {  	_ =	shalt  }
0x59: {  	_ =	shalt  }
0x5a: {  	_ =	shalt  }
0x5b: {  	_ =	shalt  }
0x5c: {  	_ =	shalt  }
0x5d: {  	_ =	shalt  }
0x5e: {  	_ =	shalt  }
0x5f: {  	_ =	shalt  }
0x60: {  	_ =	shalt  }
0x61: {  	_ =	shalt  }
0x62: {  	_ =	shalt  }
0x63: {  	_ =	shalt  }
0x64: {  	_ =	shalt  }
0x65: {  	_ =	shalt  }
0x66: {  	_ =	shalt  }
0x67: {  	_ =	shalt  }
0x68: {  	_ =	shalt  }
0x69: {  	_ =	shalt  }
0x6a: {  	_ =	shalt  }
0x6b: {  	_ =	shalt  }
0x6c: {  	_ =	shalt  }
0x6d: {  	_ =	shalt  }
0x6e: {  	_ =	shalt  }
0x6f: {  	_ =	shalt  }
0x70: {  	_ =	shalt  }
0x71: {  	_ =	shalt  }
0x72: {  	_ =	shalt  }
0x73: {  	_ =	shalt  }
0x74: {  	_ =	shalt  }
0x75: {  	_ =	shalt  }
0x76: {  	_ =	shalt  }
0x77: {  	_ =	shalt  }
0x78: {  	_ =	shalt  }
0x79: {  	_ =	shalt  }
0x7a: {  	_ =	shalt  }
0x7b: {  	_ =	shalt  }
0x7c: {  	_ =	shalt  }
0x7d: {  	_ =	shalt  }
0x7e: {  	_ =	shalt  }
0x7f: {  	_ =	shalt  }
0x80: {  	_ =	shalt  }
0x81: {  	_ =	shalt  }
0x82: {  	_ =	shalt  }
0x83: {  	_ =	shalt  }
0x84: {  	_ =	shalt  }
0x85: {  	_ =	shalt  }
0x86: {  	_ =	shalt  }
0x87: {  	_ =	shalt  }
.Lfunc_end0:
.L_simem_size_0:
called_computation_lowered:
.L_overlay_start_0:
0x88: {  	s2 =	sld [smem:$0x3FD9]  }
0x89: {  	s3 =	sld [smem:$0x3FFE];
	_ =	sdelay $0x1  }
0x8a: {  	s1 =	srdreg.scid  }
0x8b: {  	s0 =	sand.u32 $0x1, s1  }
0x8c: {  	s17 =	sshll.u32 s0, $0xA;
	s2 =	sadd.s32 s3, s2  }
0x8d: {  	s2 =	sadd.s32 s2, s17  }
0x8e: {  	[smem:$0x3FC3] =	sst s2  }
0x8f: {  	_ = 	snop  }
0x90: {  	s2 =	sld [smem:$0x3FD0];
	(tm) =	ssettm $0x1  }
0x91: {  	s18 =	sld [smem:$0x3FFB];
	_ =	sdelay $0x3  }
0x92: {  	_ =	strace s18  }
0x93: {  	s3 =	sld [smem:$0x3FFC];
	_ =	sdelay $0x3  }
0x94: {  	_ =	strace s3  }
0x95: {  	s3 =	sld [smem:$0x3FFD];
	_ =	sdelay $0x3  }
0x96: {  	_ =	strace s3  }
0x97: {  	_ =	strace $0x8FFFFFFF  }
0x98: {  	s19 =	sld [smem:$0x3FDB];
	_ =	sdelay $0x1  }
0x99: {  	s4 =	simm.s32 $_scs_section_size  }
0x9a: {  	s5 =	simm.s32 $_size__tile_overlayer_lowered;
	s6 =	simm.s32 $_tile_overlayer_lowered  }
0x9b: {  	s22 =	simm.s32 $0x1BFF;
	s21 =	sshll.u32 s6, $0x1;
	s3 =	sadd.s32 s4, s19  }
0x9c: {  	s7 =	simm.s32 $0x0;
	s20 =	sshll.u32 s5, $0x1;
	s5 =	sadd.s32 s21, s3  }
0x9d: {  	[timem:s7], [sflag:s22] =	dma.local [hbm:s5], s20  }
0x9e: {  	_ =	swait.ge [sflag:s22], s20  }
0x9f: {  	s4 =	ssub.s32 $0x0, s20;
	[sflag:s22] =	ssyncset.done $0x0  }
0xa0: {  	[sflag:s22] =	ssyncadd.s32 s4;
	_ =	sdelay $0x1  }
0xa1: {  	s23 =	simm.s32 $0x1B8B  }
0xa2: {  	_ =	swait.ge [sflag:s23], $0x1  }
0xa3: {  	[sflag:s23] =	ssyncset.done $0x0  }
0xa4: {  	s25 =	simm.s32 $0x1B8E;
	s24 =	sld [smem:$0x3FFE];
	[sflag:s23] =	ssyncadd.s32 $0xFFFFFFFF  }
0xa5: {  	s26 =	simm.s32 $execute0_lowered;
	[smem:$0x3FD2] =	sst s25  }
0xa6: {  	s5 =	sshll.u32 s26, $0x1;
	_ =	strace $0x80000046;
	[dreg:$0x1] =	wrdreg $0xFFFFFFFF  }
0xa7: {  	s28 =	simm.s32 $_size_execute0_lowered;
	s3 =	sadd.s32 s3, s5;
	[dreg:$0x0] =	wrdreg $0x0  }
0xa8: {  	s5 =	sshll.u32 s28, $0x1;
	[dreg:$0x2] =	wrdreg s3  }
0xa9: {  	[dreg:$0x3] =	wrdreg s5  }
0xaa: {  	[dreg:$0x4] =	wrdreg $0xC0  }
0xab: {  	_ =	task [dreg:s7], $0x5FFFF  }
0xac: {  	[dreg:$0x1] =	wrdreg $0xFFFFFFFF  }
0xad: {  	[dreg:$0x0] =	wrdreg $0x60  }
0xae: {  	[dreg:$0x2] =	wrdreg s2  }
0xaf: {  	[dreg:$0x3] =	wrdreg s24  }
0xb0: {  	[dreg:$0x4] =	wrdreg $0x9  }
0xb1: {  	_ =	task.clear_ibuf [dreg:s7], $0x5FFFF;
	_ =	strace $0x90000046  }
0xb2: {  	s29 =	simm.s32 $0x9;
	_ =	strace $0x80000048  }
0xb3: {  	_ =	swait.ge [sflag:s29], $0x1  }
0xb4: {  	[sflag:s29] =	ssyncadd.s32 $0xFFFFFFFF  }
0xb5: {  	_ =	strace $0x90000048  }
0xb6: {  	_ =	sfence  }
0xb7: {  	s30 =	sld [smem:$0x0];
	_ =	sdelay $0x2  }
0xb8: {  	s31 =	sshll.u32 s1, $0xD;
	s1 =	sshrl.u32 s1, $0x2  }
0xb9: {  	s3 =	sand.u32 $0x4000, s31;
	s1 =	sadd.s32 s1, s30  }
0xba: {  	s0 =	sor.u32 s3, s0;
	s1 =	sshll.u32 s1, $0x11  }
0xbb: {  	s0 =	sor.u32 s1, s0  }
0xbc: {  	s0 =	sadd.s32 $0x8F2B, s0  }
0xbd: {  	[sflag:s0] =	ssyncadd.remote.s32 $0x1  }
0xbe: {  	_ =	sfence.sel $0xFFFF  }
0xbf: {  	[dreg:$0x0] =	wrdreg $0xFFFFFFFF;
	(pc) =	sbr.abs _section_cstart, $3  }
0xc0: {  	[dreg:$0x1] =	wrdreg $0xFFFFFFFF  }
0xc1: {  	_ =	task.clear_ibuf [dreg:s7], $0x2FFFF;
	_ =	strace $0x9FFFFFFF  }
0xc2: {  	(tm) =	ssettm $0x7FFFFFFF  }
0xc3: {  	_ =	shalt  }
tec
execute0_lowered:
.L_overlay_start_1:
0x0: {  	(tag) =	ssettag $0x1  }
0x1: {  	s4 =	rddreg [dreg:$0x0]  }
0x2: {  	s7 =	rddreg [dreg:$0x1];
	s2 =	srdreg.scid  }
0x3: {  	s0 =	rddreg [dreg:$0x2];
	s1 =	stileid.u32  }
0x4: {  	s10 =	simm.s32 $0x8080;
	s11 =	simm.s32 $0x1;
	s12 =	simm.s32 $0x2  }
0x5: {  	s13 =	simm.s32 $0x3;
	s14 =	simm.s32 $0x800;
	s15 =	simm.s32 $0x1000  }
0x6: {  	s16 =	simm.s32 $0x1800;
	s17 =	simm.s32 $0x2000;
	s18 =	simm.s32 $0x2800  }
0x7: {  	s19 =	simm.s32 $0x3000;
	s20 =	simm.s32 $0x3800;
	s21 =	simm.s32 $0x4000  }
0x8: {  	s22 =	simm.s32 $0x4800;
	s23 =	simm.s32 $0x5000;
	s24 =	simm.s32 $0x5800  }
0x9: {  	s25 =	simm.s32 $0x6000;
	s26 =	simm.s32 $0x6800;
	s28 =	simm.s32 $0x7000  }
0xa: {  	s29 =	simm.s32 $0x7800;
	s3 =	sand.u32 $0x1, s2;
	s2 =	simm.s32 $0x0  }
0xb: {  	s5 =	sshll.u32 s1, $0x7;
	s6 =	sshll.u32 s3, $0x6;
	[smem:$0x7FF] =	sst s2  }
0xc: {  	s8 =	ssub.s32 $0x2, s3;
	s3 =	sadd.s32 $0x2000, s7;
	s5 =	sor.u32 s6, s5  }
0xd: {  	_ =	strace $0x80000047;
	s9 =	sshrl.u32 s8, $0x1;
	s6 =	sshrl.u32 s5, $0x3  }
0xe: {  	v2 =	vlaneseq.u32;
	s5 =	sshll.u32 s5, $0x6;
	s8 =	ssub.s32 s8, s9;
	s9 =	simm.s32 $0x8000  }
0xf: {  	vm0 =	vmmov $0xffff;
	v1 =	vshrl.u32 v2, $0x3;
	s6 =	sadd.s32 s6, s7;
	s4 =	sadd.s32 s4, s5;
	s7 =	sadd.s32 $0x2100, s7  }
0x10: {  	v0 =	vand.u32 $0x7, v2;
	v2 =	vor.u32 $0x8, v2;
	v1 =	vmul.u32 $0x8, v1;
	s8 =	smax.u32 s8, $0x1;
	s5 =	sadd.s32 $0x1C00, s6;
	s6 =	sadd.s32 $0x1E00, s6  }
.LBB2_1:
0x11: {  	[tilespmem:s2], [sflag:$0x1] =	stream.linear.gather [hbm4b:s4+s2], $0x8000, $0x38;
	[tilespmem:$0x8100] =	vst v63  }
0x12: {  	_ = 	snop  }
0x13: {  	[tilespmem:s9], [sflag:$0x2] =	stream.linear.gather [hbm4b:s5+s2], $0x40, $0x38;
	[tilespmem:$0x8100] =	vst v63  }
0x14: {  	_ = 	snop  }
0x15: {  	[tilespmem:s10], [sflag:$0x3] =	stream.linear.gather [hbm4b:s6+s2], $0x40, $0x38;
	[tilespmem:$0x8100] =	vst v63  }
0x16: {  	_ =	swait.ge [sflag:s11], $0x8000  }
0x17: {  	[sflag:s11] =	ssyncset.done $0x0  }
0x18: {  	[sflag:s11] =	ssyncadd.s32 $0xFFFF8000  }
0x19: {  	_ =	swait.ge [sflag:s12], $0x40  }
0x1a: {  	[sflag:s12] =	ssyncset.done $0x0  }
0x1b: {  	[sflag:s12] =	ssyncadd.s32 $0xFFFFFFC0  }
0x1c: {  	_ =	swait.ge [sflag:s13], $0x40  }
0x1d: {  	[sflag:s13] =	ssyncset.done $0x0  }
0x1e: {  	[sflag:s13] =	ssyncadd.s32 $0xFFFFFFC0  }
0x1f: {  	v3 =	vld [tilespmem:$0x8000];
	_ =	sdelay $0x4  }
0x20: {  	v4 =	vshll.u32 v3, $0x2  }
0x21: {  	v3 =	vand.u32 $0x7, v3;
	v4 =	vand.u32 $0xFFFFFFE0, v4  }
0x22: {  	v3 =	vor.u32 v3, v4  }
0x23: {  	v4 =	vperm.xlane v3, v0;
	_ =	sdelay $0x1  }
0x24: {  	v4 =	vadd.s32 v1, v4;
	_ =	sdelay $0x1  }
0x25: {  	v3 =	vperm.xlane v3, v2;
	_ =	sdelay $0x1  }
0x26: {  	v3 =	vadd.s32 v1, v3  }
0x27: {  	[hbm4b:s3+s2] =	stream.indirect_vreg.scatter [tilespmem:s2], [sflag:$0x1], $0x80, v4, vm0, $0xb8;
	[tilespmem:$0x8100] =	vst v63  }
0x28: {  	_ = 	snop  }
0x29: {  	[hbm4b:s7+s2] =	stream.indirect_vreg.scatter [tilespmem:s14], [sflag:$0x1], $0x80, v4, vm0, $0xb8;
	[tilespmem:$0x8100] =	vst v63  }
0x2a: {  	_ = 	snop  }
0x2b: {  	[hbm4b:s3+s2] =	stream.indirect_vreg.scatter [tilespmem:s15], [sflag:$0x1], $0x80, v3, vm0, $0xb8;
	[tilespmem:$0x8100] =	vst v63  }
0x2c: {  	_ = 	snop  }
0x2d: {  	[hbm4b:s7+s2] =	stream.indirect_vreg.scatter [tilespmem:s16], [sflag:$0x1], $0x80, v3, vm0, $0xb8;
	[tilespmem:$0x8100] =	vst v63  }
0x2e: {  	v3 =	vld [tilespmem:$0x8010];
	_ =	sdelay $0x4  }
0x2f: {  	v57 =	vshll.u32 v3, $0x2  }
0x30: {  	v3 =	vand.u32 $0x7, v3;
	v4 =	vand.u32 $0xFFFFFFE0, v57  }
0x31: {  	v3 =	vor.u32 v3, v4  }
0x32: {  	v4 =	vperm.xlane v3, v0;
	_ =	sdelay $0x1  }
0x33: {  	v4 =	vadd.s32 v1, v4;
	_ =	sdelay $0x1  }
0x34: {  	v3 =	vperm.xlane v3, v2;
	_ =	sdelay $0x1  }
0x35: {  	v3 =	vadd.s32 v1, v3  }
0x36: {  	[hbm4b:s3+s2] =	stream.indirect_vreg.scatter [tilespmem:s17], [sflag:$0x1], $0x80, v4, vm0, $0xb8;
	[tilespmem:$0x8100] =	vst v63  }
0x37: {  	_ = 	snop  }
0x38: {  	[hbm4b:s7+s2] =	stream.indirect_vreg.scatter [tilespmem:s18], [sflag:$0x1], $0x80, v4, vm0, $0xb8;
	[tilespmem:$0x8100] =	vst v63  }
0x39: {  	_ = 	snop  }
0x3a: {  	[hbm4b:s3+s2] =	stream.indirect_vreg.scatter [tilespmem:s19], [sflag:$0x1], $0x80, v3, vm0, $0xb8;
	[tilespmem:$0x8100] =	vst v63  }
0x3b: {  	_ = 	snop  }
0x3c: {  	[hbm4b:s7+s2] =	stream.indirect_vreg.scatter [tilespmem:s20], [sflag:$0x1], $0x80, v3, vm0, $0xb8;
	[tilespmem:$0x8100] =	vst v63  }
0x3d: {  	v3 =	vld [tilespmem:$0x8020];
	_ =	sdelay $0x4  }
0x3e: {  	v58 =	vshll.u32 v3, $0x2  }
0x3f: {  	v3 =	vand.u32 $0x7, v3;
	v4 =	vand.u32 $0xFFFFFFE0, v58  }
0x40: {  	v3 =	vor.u32 v3, v4  }
0x41: {  	v4 =	vperm.xlane v3, v0;
	_ =	sdelay $0x1  }
0x42: {  	v4 =	vadd.s32 v1, v4;
	_ =	sdelay $0x1  }
0x43: {  	v3 =	vperm.xlane v3, v2;
	_ =	sdelay $0x1  }
0x44: {  	v3 =	vadd.s32 v1, v3  }
0x45: {  	[hbm4b:s3+s2] =	stream.indirect_vreg.scatter [tilespmem:s21], [sflag:$0x1], $0x80, v4, vm0, $0xb8;
	[tilespmem:$0x8100] =	vst v63  }
0x46: {  	_ = 	snop  }
0x47: {  	[hbm4b:s7+s2] =	stream.indirect_vreg.scatter [tilespmem:s22], [sflag:$0x1], $0x80, v4, vm0, $0xb8;
	[tilespmem:$0x8100] =	vst v63  }
0x48: {  	_ = 	snop  }
0x49: {  	[hbm4b:s3+s2] =	stream.indirect_vreg.scatter [tilespmem:s23], [sflag:$0x1], $0x80, v3, vm0, $0xb8;
	[tilespmem:$0x8100] =	vst v63  }
0x4a: {  	_ = 	snop  }
0x4b: {  	[hbm4b:s7+s2] =	stream.indirect_vreg.scatter [tilespmem:s24], [sflag:$0x1], $0x80, v3, vm0, $0xb8;
	[tilespmem:$0x8100] =	vst v63  }
0x4c: {  	v3 =	vld [tilespmem:$0x8030];
	_ =	sdelay $0x4  }
0x4d: {  	v59 =	vshll.u32 v3, $0x2  }
0x4e: {  	v3 =	vand.u32 $0x7, v3;
	v4 =	vand.u32 $0xFFFFFFE0, v59  }
0x4f: {  	v3 =	vor.u32 v3, v4  }
0x50: {  	v4 =	vperm.xlane v3, v0;
	_ =	sdelay $0x1  }
0x51: {  	v4 =	vadd.s32 v1, v4;
	_ =	sdelay $0x1  }
0x52: {  	v3 =	vperm.xlane v3, v2;
	_ =	sdelay $0x1  }
0x53: {  	v3 =	vadd.s32 v1, v3  }
0x54: {  	[hbm4b:s3+s2] =	stream.indirect_vreg.scatter [tilespmem:s25], [sflag:$0x1], $0x80, v4, vm0, $0xb8;
	[tilespmem:$0x8100] =	vst v63  }
0x55: {  	_ = 	snop  }
0x56: {  	[hbm4b:s7+s2] =	stream.indirect_vreg.scatter [tilespmem:s26], [sflag:$0x1], $0x80, v4, vm0, $0xb8;
	[tilespmem:$0x8100] =	vst v63  }
0x57: {  	_ = 	snop  }
0x58: {  	[hbm4b:s3+s2] =	stream.indirect_vreg.scatter [tilespmem:s28], [sflag:$0x1], $0x80, v3, vm0, $0xb8;
	[tilespmem:$0x8100] =	vst v63  }
0x59: {  	_ = 	snop  }
0x5a: {  	[hbm4b:s7+s2] =	stream.indirect_vreg.scatter [tilespmem:s29], [sflag:$0x1], $0x80, v3, vm0, $0xb8;
	[tilespmem:$0x8100] =	vst v63  }
0x5b: {  	v3 =	vld [tilespmem:$0x8080];
	_ =	sdelay $0x4  }
0x5c: {  	v60 =	vshll.u32 v3, $0x2  }
0x5d: {  	v3 =	vand.u32 $0x7, v3;
	v4 =	vand.u32 $0xFFFFFFE0, v60  }
0x5e: {  	v3 =	vor.u32 v3, v4  }
0x5f: {  	v4 =	vperm.xlane v3, v0;
	_ =	sdelay $0x1  }
0x60: {  	v4 =	vadd.s32 v1, v4;
	_ =	sdelay $0x1  }
0x61: {  	v3 =	vperm.xlane v3, v2;
	_ =	sdelay $0x1  }
0x62: {  	v3 =	vadd.s32 v1, v3  }
0x63: {  	[hbm4b:s3+s2] =	stream.indirect_vreg.scatter [tilespmem:s2], [sflag:$0x2], $0x80, v4, vm0, $0xb8;
	[tilespmem:$0x8100] =	vst v63  }
0x64: {  	_ = 	snop  }
0x65: {  	[hbm4b:s7+s2] =	stream.indirect_vreg.scatter [tilespmem:s14], [sflag:$0x2], $0x80, v4, vm0, $0xb8;
	[tilespmem:$0x8100] =	vst v63  }
0x66: {  	_ = 	snop  }
0x67: {  	[hbm4b:s3+s2] =	stream.indirect_vreg.scatter [tilespmem:s15], [sflag:$0x2], $0x80, v3, vm0, $0xb8;
	[tilespmem:$0x8100] =	vst v63  }
0x68: {  	_ = 	snop  }
0x69: {  	[hbm4b:s7+s2] =	stream.indirect_vreg.scatter [tilespmem:s16], [sflag:$0x2], $0x80, v3, vm0, $0xb8;
	[tilespmem:$0x8100] =	vst v63  }
0x6a: {  	v3 =	vld [tilespmem:$0x8090];
	_ =	sdelay $0x4  }
0x6b: {  	v61 =	vshll.u32 v3, $0x2  }
0x6c: {  	v3 =	vand.u32 $0x7, v3;
	v4 =	vand.u32 $0xFFFFFFE0, v61  }
0x6d: {  	v3 =	vor.u32 v3, v4  }
0x6e: {  	v4 =	vperm.xlane v3, v0;
	_ =	sdelay $0x1  }
0x6f: {  	v4 =	vadd.s32 v1, v4;
	_ =	sdelay $0x1  }
0x70: {  	v3 =	vperm.xlane v3, v2;
	_ =	sdelay $0x1  }
0x71: {  	v3 =	vadd.s32 v1, v3  }
0x72: {  	[hbm4b:s3+s2] =	stream.indirect_vreg.scatter [tilespmem:s17], [sflag:$0x2], $0x80, v4, vm0, $0xb8;
	[tilespmem:$0x8100] =	vst v63  }
0x73: {  	_ = 	snop  }
0x74: {  	[hbm4b:s7+s2] =	stream.indirect_vreg.scatter [tilespmem:s18], [sflag:$0x2], $0x80, v4, vm0, $0xb8;
	[tilespmem:$0x8100] =	vst v63  }
0x75: {  	_ = 	snop  }
0x76: {  	[hbm4b:s3+s2] =	stream.indirect_vreg.scatter [tilespmem:s19], [sflag:$0x2], $0x80, v3, vm0, $0xb8;
	[tilespmem:$0x8100] =	vst v63  }
0x77: {  	_ = 	snop  }
0x78: {  	[hbm4b:s7+s2] =	stream.indirect_vreg.scatter [tilespmem:s20], [sflag:$0x2], $0x80, v3, vm0, $0xb8;
	[tilespmem:$0x8100] =	vst v63  }
0x79: {  	v3 =	vld [tilespmem:$0x80A0];
	_ =	sdelay $0x4  }
0x7a: {  	v62 =	vshll.u32 v3, $0x2  }
0x7b: {  	v3 =	vand.u32 $0x7, v3;
	v4 =	vand.u32 $0xFFFFFFE0, v62  }
0x7c: {  	v3 =	vor.u32 v3, v4  }
0x7d: {  	v4 =	vperm.xlane v3, v0;
	_ =	sdelay $0x1  }
0x7e: {  	v4 =	vadd.s32 v1, v4;
	_ =	sdelay $0x1  }
0x7f: {  	v3 =	vperm.xlane v3, v2;
	_ =	sdelay $0x1  }
0x80: {  	v3 =	vadd.s32 v1, v3  }
0x81: {  	[hbm4b:s3+s2] =	stream.indirect_vreg.scatter [tilespmem:s21], [sflag:$0x2], $0x80, v4, vm0, $0xb8;
	[tilespmem:$0x8100] =	vst v63  }
0x82: {  	_ = 	snop  }
0x83: {  	[hbm4b:s7+s2] =	stream.indirect_vreg.scatter [tilespmem:s22], [sflag:$0x2], $0x80, v4, vm0, $0xb8;
	[tilespmem:$0x8100] =	vst v63  }
0x84: {  	_ = 	snop  }
0x85: {  	[hbm4b:s3+s2] =	stream.indirect_vreg.scatter [tilespmem:s23], [sflag:$0x2], $0x80, v3, vm0, $0xb8;
	[tilespmem:$0x8100] =	vst v63  }
0x86: {  	_ = 	snop  }
0x87: {  	[hbm4b:s7+s2] =	stream.indirect_vreg.scatter [tilespmem:s24], [sflag:$0x2], $0x80, v3, vm0, $0xb8;
	[tilespmem:$0x8100] =	vst v63  }
0x88: {  	v3 =	vld [tilespmem:$0x80B0];
	_ =	sdelay $0x4  }
0x89: {  	v63 =	vshll.u32 v3, $0x2  }
0x8a: {  	v3 =	vand.u32 $0x7, v3;
	v4 =	vand.u32 $0xFFFFFFE0, v63  }
0x8b: {  	v3 =	vor.u32 v3, v4  }
0x8c: {  	v4 =	vperm.xlane v3, v0;
	_ =	sdelay $0x1  }
0x8d: {  	v4 =	vadd.s32 v1, v4;
	_ =	sdelay $0x1  }
0x8e: {  	v3 =	vperm.xlane v3, v2;
	_ =	sdelay $0x1  }
0x8f: {  	v3 =	vadd.s32 v1, v3  }
0x90: {  	[hbm4b:s3+s2] =	stream.indirect_vreg.scatter [tilespmem:s25], [sflag:$0x2], $0x80, v4, vm0, $0xb8;
	[tilespmem:$0x8100] =	vst v63  }
0x91: {  	_ = 	snop  }
0x92: {  	[hbm4b:s7+s2] =	stream.indirect_vreg.scatter [tilespmem:s26], [sflag:$0x2], $0x80, v4, vm0, $0xb8;
	[tilespmem:$0x8100] =	vst v63  }
0x93: {  	_ = 	snop  }
0x94: {  	[hbm4b:s3+s2] =	stream.indirect_vreg.scatter [tilespmem:s28], [sflag:$0x2], $0x80, v3, vm0, $0xb8;
	[tilespmem:$0x8100] =	vst v63  }
0x95: {  	_ = 	snop  }
0x96: {  	[hbm4b:s7+s2] =	stream.indirect_vreg.scatter [tilespmem:s29], [sflag:$0x2], $0x80, v3, vm0, $0xb8;
	[tilespmem:$0x8100] =	vst v63  }
0x97: {  	p0 =	sne.s32 s8, $0x1;
	_ =	swait.ge [sflag:s11], $0x8000  }
.Ltmp0:
0x98: {  	[sflag:s11] =	ssyncset.done $0x0;
	(pc) =	sbr.rel @p0 .LBB2_1-.Ltmp0, $4  }
0x99: {  	[sflag:s11] =	ssyncadd.s32 $0xFFFF8000  }
0x9a: {  	_ =	swait.ge [sflag:s12], $0x8000  }
0x9b: {  	[sflag:s12] =	ssyncset.done $0x0  }
0x9c: {  	s8 =	sadd.s32 $0xFFFFFFFF, s8;
	[sflag:s12] =	ssyncadd.s32 $0xFFFF8000  }
0x9d: {  	_ =	sfence.sel $0x180000  }
0x9e: {  	[bflag:$0x0] =	sbarrier.arrive $0xFFFF  }
0x9f: {  	p0 =	sne.s32 s1, $0x0;
	_ =	strace $0x90000047  }
0xa0: {  	s0 =	sadd.s32 @!p0 $0x100000, s0;
	[bflag:$0x2] =	sbarrier.arrive $0xFFFF  }
0xa1: {  	[sflag:s0] =	ssyncadd.tile.s32 @!p0 $0x1;
	_ =	shalt  }
.Lfunc_end2:
_tile_overlayer_lowered:
.L_overlay_start_2:
0xa2: {  	(tag) =	ssettag $0x2  }
0xa3: {  	s0 =	rddreg [dreg:$0x0];
	s2 =	stileid.u32  }
0xa4: {  	s1 =	rddreg [dreg:$0x1];
	p0 =	sne.s32 s2, $0x0  }
0xa5: {  	s3 =	rddreg [dreg:$0x2];
	[bflag:$0x3] =	sbarrier.arrive $0xFFFF;
	s2 =	simm.s32 @!p0 $0x1C04  }
0xa6: {  	[timem:s3], [sflag:s2] =	dma.local @!p0 [hbm:s0], s1  }
0xa7: {  	s0 =	simm.s32 @!p0 $0x4  }
0xa8: {  	_ =	swait.ge @!p0 [sflag:s0], s1  }
0xa9: {  	s1 =	ssub.s32 @!p0 $0x0, s1;
	[sflag:s0] =	ssyncset.done @!p0 $0x0  }
0xaa: {  	[sflag:s0] =	ssyncadd.s32 @!p0 s1  }
0xab: {  	[bflag:$0x3] =	sbarrier.arrive $0xFFFF  }
0xac: {  	_ =	shalt  }

</sc_bundles>
